<compile_context>
chip_gen: v7x
topology: tpu7x:2x2x1
jax: 0.10.2.dev20260603
libtpu: 0.0.44.dev20260713+nightly
codegen_flags: <defaults>
</compile_context>

<pallas_src>
import dataclasses

import jax
import jax.numpy as jnp
from jax import lax
from jax.experimental import pallas as pl
from jax.experimental.pallas import tpu as pltpu
from jax.experimental.pallas import tpu_sc as plsc

_N = 20000
_NP = 20480
_TILES = 16
_PER = _NP // _TILES
_G = _PER // 16
_MAX_OUT = 300
_OUT_PAD = 304
_IOU_THR = 0.3
_NEG_INF = float("-inf")
_BIG = 2**30


def _sc_nms(y1_hbm, x1_hbm, y2_hbm, x2_hbm, sc_hbm,
            out_hbm, shared_a, shared_b,
            ymin_v, ymax_v, xmin_v, xmax_v, area_v, sc_v,
            all_v, cand_v, keep_v,
            sem_in, sem_pub, sem_rd, sem_out):
    cid = lax.axis_index("c")
    tid = lax.axis_index("s")
    base = tid * _PER
    lane = lax.iota(jnp.int32, 16)

    @pl.when(cid == 0)
    def _body():
        pltpu.async_copy(y1_hbm.at[pl.ds(base, _PER)], ymin_v, sem_in).wait()
        pltpu.async_copy(y2_hbm.at[pl.ds(base, _PER)], ymax_v, sem_in).wait()
        pltpu.async_copy(x1_hbm.at[pl.ds(base, _PER)], xmin_v, sem_in).wait()
        pltpu.async_copy(x2_hbm.at[pl.ds(base, _PER)], xmax_v, sem_in).wait()
        pltpu.async_copy(sc_hbm.at[pl.ds(base, _PER)], sc_v, sem_in).wait()

        def prolog(g, carry):
            bmax, bidx = carry
            slc = pl.ds(g * 16, 16)
            a, b = ymin_v[slc], ymax_v[slc]
            ymin_v[slc] = jnp.minimum(a, b)
            ymax_v[slc] = jnp.maximum(a, b)
            c, d = xmin_v[slc], xmax_v[slc]
            xmin_v[slc] = jnp.minimum(c, d)
            xmax_v[slc] = jnp.maximum(c, d)
            area_v[slc] = (jnp.maximum(a, b) - jnp.minimum(a, b)) * (
                jnp.maximum(c, d) - jnp.minimum(c, d))
            s = sc_v[slc]
            upd = s > bmax
            return jnp.where(upd, s, bmax), jnp.where(upd, g, bidx)

        init = (jnp.full((16,), _NEG_INF, jnp.float32),
                jnp.zeros((16,), jnp.int32))
        bmax0, bidx0 = lax.fori_loop(0, _G, prolog, init)

        def stage(bmax, bidx):
            m = jnp.max(bmax)
            eq = bmax == m
            flat = jnp.where(eq, bidx * 16 + lane, _BIG)
            lidx = jnp.min(flat)
            gidx = base + lidx
            iv = jnp.full((16,), lidx, jnp.int32)
            row = jnp.where(lane == 0, m, 0.0)
            row = jnp.where(lane == 1, gidx.astype(jnp.float32), row)
            row = jnp.where(lane == 2, plsc.load_gather(ymin_v, [iv]), row)
            row = jnp.where(lane == 3, plsc.load_gather(ymax_v, [iv]), row)
            row = jnp.where(lane == 4, plsc.load_gather(xmin_v, [iv]), row)
            row = jnp.where(lane == 5, plsc.load_gather(xmax_v, [iv]), row)
            row = jnp.where(lane == 6, plsc.load_gather(area_v, [iv]), row)
            cand_v[...] = row

        stage(bmax0, bidx0)

        def iteration(i, tbl):
            pltpu.async_copy(cand_v, tbl.at[tid], sem_pub).wait()
            plsc.subcore_barrier()
            pltpu.async_copy(tbl, all_v, sem_rd).wait()
            col = plsc.load_gather(all_v, [lane, jnp.zeros((16,), jnp.int32)])
            gmax = jnp.max(col)
            w = plsc.all_reduce_ffs(col == gmax)
            wv = jnp.full((16,), w, jnp.int32) if w.ndim == 0 else w

            def wfield(k):
                return plsc.load_gather(all_v, [wv, jnp.full((16,), k, jnp.int32)])

            widx = wfield(1).astype(jnp.int32)
            by1 = wfield(2)
            by2 = wfield(3)
            bx1 = wfield(4)
            bx2 = wfield(5)
            ba = wfield(6)
            valid = gmax > _NEG_INF

            @pl.when(tid == 0)
            def _():
                keepvec = jnp.where(valid, widx, -1)
                plsc.store_scatter(keep_v, [jnp.full((16,), i, jnp.int32)],
                                   keepvec, mask=lane == 0)

            bad_b = ba <= 0.0

            def sweep(g, carry):
                bmax, bidx = carry
                slc = pl.ds(g * 16, 16)
                ymin, ymax = ymin_v[slc], ymax_v[slc]
                xmin, xmax = xmin_v[slc], xmax_v[slc]
                area = area_v[slc]
                s = sc_v[slc]
                yy1 = jnp.maximum(ymin, by1)
                xx1 = jnp.maximum(xmin, bx1)
                yy2 = jnp.minimum(ymax, by2)
                xx2 = jnp.minimum(xmax, bx2)
                inter = jnp.maximum(yy2 - yy1, 0.0) * jnp.maximum(xx2 - xx1, 0.0)
                denom = ba + area - inter
                iou = jnp.where(bad_b | (area <= 0.0), 0.0, inter / denom)
                gvec = base + g * 16 + lane
                supp = (iou > _IOU_THR) | (gvec == widx)
                s = jnp.where(supp, _NEG_INF, s)
                sc_v[slc] = s
                upd = s > bmax
                return jnp.where(upd, s, bmax), jnp.where(upd, g, bidx)

            bmax, bidx = lax.fori_loop(0, _G, sweep, init)
            stage(bmax, bidx)

        def pair(p, _):
            iteration(2 * p, shared_a)
            iteration(2 * p + 1, shared_b)
            return 0

        lax.fori_loop(0, _MAX_OUT // 2, pair, 0)

        @pl.when(tid == 0)
        def _():
            pltpu.async_copy(keep_v, out_hbm, sem_out).wait()


@jax.jit
def kernel(rois, cls_score):
    def prep(v, pad_val):
        return jnp.pad(v, (0, _NP - _N), constant_values=pad_val)

    y1 = prep(rois[:, 1], 0.0)
    x1 = prep(rois[:, 2], 0.0)
    y2 = prep(rois[:, 3], 0.0)
    x2 = prep(rois[:, 4], 0.0)
    sc = prep(jnp.reshape(cls_score, (-1,)), _NEG_INF)

    f32 = jnp.float32
    mesh = plsc.VectorSubcoreMesh(core_axis_name="c", subcore_axis_name="s",
                                  num_cores=2, num_subcores=16)
    cp = pltpu.CompilerParams()
    if "needs_layout_passes" in pltpu.CompilerParams.__dataclass_fields__:
        cp = dataclasses.replace(cp, needs_layout_passes=False)
    run = pl.kernel(
        _sc_nms,
        out_type=(jax.ShapeDtypeStruct((_OUT_PAD,), jnp.int32),
                  jax.ShapeDtypeStruct((16, 16), f32),
                  jax.ShapeDtypeStruct((16, 16), f32)),
        mesh=mesh,
        compiler_params=cp,
        scratch_types=[
            pltpu.VMEM((_PER,), f32),
            pltpu.VMEM((_PER,), f32),
            pltpu.VMEM((_PER,), f32),
            pltpu.VMEM((_PER,), f32),
            pltpu.VMEM((_PER,), f32),
            pltpu.VMEM((_PER,), f32),
            pltpu.VMEM((16, 16), f32),
            pltpu.VMEM((16,), f32),
            pltpu.VMEM((_OUT_PAD,), jnp.int32),
            pltpu.SemaphoreType.DMA,
            pltpu.SemaphoreType.DMA,
            pltpu.SemaphoreType.DMA,
            pltpu.SemaphoreType.DMA,
        ],
    )
    out, _tbl_a, _tbl_b = run(y1, x1, y2, x2, sc)
    return out[:_MAX_OUT]

# --- scband reference (transcript-rebuilt; emitter-appended) ---
"""Pipeline reference for scband-model-part31-90305982366375 (READ-ONLY COPY).

The authoritative reference and input builder live on the scoring server;
editing this copy changes nothing except your own understanding.
"""

import jax, jax.numpy as jnp
import numpy as np


def setup_inputs(seed: int = 0) -> dict:
    key = jax.random.key(seed)
    k1, k2 = jax.random.split(key)
    rois = jax.random.uniform(k1, (20000, 5), dtype=jnp.float32)
    cls_score = jax.random.uniform(k2, (20000,), dtype=jnp.float32)
    return {"rois": rois, "cls_score": cls_score}


def _nms(boxes, scores, max_output_size=300, iou_threshold=0.3):
    # Faithful re-implementation of tf.image.non_max_suppression (greedy NMS).
    # TF canonicalizes box coordinates (min/max over the coordinate pairs).
    ymin = jnp.minimum(boxes[:, 0], boxes[:, 2])
    ymax = jnp.maximum(boxes[:, 0], boxes[:, 2])
    xmin = jnp.minimum(boxes[:, 1], boxes[:, 3])
    xmax = jnp.maximum(boxes[:, 1], boxes[:, 3])
    areas = (ymax - ymin) * (xmax - xmin)
    neg_inf = jnp.float32(-jnp.inf)

    def body(i, state):
        keep, sc = state
        idx = jnp.argmax(sc)
        valid = sc[idx] > neg_inf
        keep = keep.at[i].set(jnp.where(valid, idx.astype(jnp.int32), jnp.int32(-1)))
        yy1 = jnp.maximum(ymin[idx], ymin)
        xx1 = jnp.maximum(xmin[idx], xmin)
        yy2 = jnp.minimum(ymax[idx], ymax)
        xx2 = jnp.minimum(xmax[idx], xmax)
        inter = jnp.maximum(yy2 - yy1, 0.0) * jnp.maximum(xx2 - xx1, 0.0)
        denom = areas[idx] + areas - inter
        iou = jnp.where((areas[idx] <= 0.0) | (areas <= 0.0), 0.0, inter / denom)
        suppress = iou > iou_threshold
        sc = jnp.where(suppress, neg_inf, sc)
        sc = sc.at[idx].set(neg_inf)
        return keep, sc

    keep0 = jnp.full((max_output_size,), -1, dtype=jnp.int32)
    keep, _ = jax.lax.fori_loop(0, max_output_size, body, (keep0, scores))
    return keep


def reference(rois, cls_score):
    per_roi = rois[:, 1:]
    score = jnp.reshape(cls_score, (-1,))
    keep = _nms(per_roi, score, max_output_size=300, iou_threshold=0.3)
    return keep

if __name__ == "__main__":
    import jax
    _d = setup_inputs()
    print(jax.jit(kernel)(*tuple(_d.values())))

</pallas_src>

<mosaic_0001>
#map = affine_map<(d0, d1) -> (0)>
#map1 = affine_map<(d0, d1) -> (0, 0)>
module attributes {stable_mosaic.version = 14 : i64} {
  func.func @_sc_nms(%arg0: i32, %arg1: i32, %arg2: memref<20480xf32, #tpu.memory_space<hbm>>, %arg3: memref<20480xf32, #tpu.memory_space<hbm>>, %arg4: memref<20480xf32, #tpu.memory_space<hbm>>, %arg5: memref<20480xf32, #tpu.memory_space<hbm>>, %arg6: memref<20480xf32, #tpu.memory_space<hbm>>, %arg7: memref<304xi32, #tpu.memory_space<hbm>>, %arg8: memref<16x16xf32, #tpu.memory_space<hbm>>, %arg9: memref<16x16xf32, #tpu.memory_space<hbm>>, %arg10: memref<1280xf32, #tpu.memory_space<vmem>>, %arg11: memref<1280xf32, #tpu.memory_space<vmem>>, %arg12: memref<1280xf32, #tpu.memory_space<vmem>>, %arg13: memref<1280xf32, #tpu.memory_space<vmem>>, %arg14: memref<1280xf32, #tpu.memory_space<vmem>>, %arg15: memref<1280xf32, #tpu.memory_space<vmem>>, %arg16: memref<16x16xf32, #tpu.memory_space<vmem>>, %arg17: memref<16xf32, #tpu.memory_space<vmem>>, %arg18: memref<304xi32, #tpu.memory_space<vmem>>, %arg19: memref<!tpu.dma_semaphore, #tpu.memory_space<semaphore_mem>>, %arg20: memref<!tpu.dma_semaphore, #tpu.memory_space<semaphore_mem>>, %arg21: memref<!tpu.dma_semaphore, #tpu.memory_space<semaphore_mem>>, %arg22: memref<!tpu.dma_semaphore, #tpu.memory_space<semaphore_mem>>) attributes {dimension_semantics = [#tpu.dimension_semantics<core_parallel>, #tpu.dimension_semantics<subcore_parallel>], iteration_bounds = array<i64: 2, 16>, scalar_prefetch = 0 : i64, scratch_operands = 13 : i64, tpu.core_type = #tpu.core_type<sc_vector_subcore>, window_params = [{transform_indices = #map}, {transform_indices = #map}, {transform_indices = #map}, {transform_indices = #map}, {transform_indices = #map}, {transform_indices = #map}, {transform_indices = #map1}, {transform_indices = #map1}]} {
    %mul3A = arith.constant 1280 : i32
    %mul3A_0 = arith.muli %arg1, %mul3A : i32
    %iota3A = tpu.iota {dimensions = array<i32: 0>} : vector<16xi32>
    %eq3A = arith.constant 0 : i32
    %eq3A_1 = arith.cmpi eq, %arg0, %eq3A : i32
    %convert_element_type3A = arith.extui %eq3A_1 : i1 to i32
    %cond3A = arith.constant 0 : i32
    %cond3A_2 = arith.cmpi ne, %convert_element_type3A, %cond3A : i32
    scf.if %cond3A_2 {
      %dma_start3A = tpu.memref_slice %arg2[%mul3A_0] : memref<20480xf32, #tpu.memory_space<hbm>> -> memref<1280xf32, #tpu.memory_space<hbm>>
      %dma_start3A_3 = tpu.memref_slice %arg2[%mul3A_0] : memref<20480xf32, #tpu.memory_space<hbm>> -> memref<1280xf32, #tpu.memory_space<hbm>>
      tpu.enqueue_dma source(%dma_start3A_3 : memref<1280xf32, #tpu.memory_space<hbm>>) target(%arg10 : memref<1280xf32, #tpu.memory_space<vmem>>) target_semaphore(%arg19 : memref<!tpu.dma_semaphore, #tpu.memory_space<semaphore_mem>>)
      %dma_wait3A = tpu.memref_slice %arg2[%mul3A_0] : memref<20480xf32, #tpu.memory_space<hbm>> -> memref<1280xf32, #tpu.memory_space<hbm>>
      %dma_wait3A_4 = tpu.memref_slice %arg2[%mul3A_0] : memref<20480xf32, #tpu.memory_space<hbm>> -> memref<1280xf32, #tpu.memory_space<hbm>>
      tpu.wait_dma2 semaphore(%arg19 : memref<!tpu.dma_semaphore, #tpu.memory_space<semaphore_mem>>) src(%dma_wait3A_4 : memref<1280xf32, #tpu.memory_space<hbm>>) dst(%arg10 : memref<1280xf32, #tpu.memory_space<vmem>>)
      %dma_start3A_5 = tpu.memref_slice %arg4[%mul3A_0] : memref<20480xf32, #tpu.memory_space<hbm>> -> memref<1280xf32, #tpu.memory_space<hbm>>
      %dma_start3A_6 = tpu.memref_slice %arg4[%mul3A_0] : memref<20480xf32, #tpu.memory_space<hbm>> -> memref<1280xf32, #tpu.memory_space<hbm>>
      tpu.enqueue_dma source(%dma_start3A_6 : memref<1280xf32, #tpu.memory_space<hbm>>) target(%arg11 : memref<1280xf32, #tpu.memory_space<vmem>>) target_semaphore(%arg19 : memref<!tpu.dma_semaphore, #tpu.memory_space<semaphore_mem>>)
      %dma_wait3A_7 = tpu.memref_slice %arg4[%mul3A_0] : memref<20480xf32, #tpu.memory_space<hbm>> -> memref<1280xf32, #tpu.memory_space<hbm>>
      %dma_wait3A_8 = tpu.memref_slice %arg4[%mul3A_0] : memref<20480xf32, #tpu.memory_space<hbm>> -> memref<1280xf32, #tpu.memory_space<hbm>>
      tpu.wait_dma2 semaphore(%arg19 : memref<!tpu.dma_semaphore, #tpu.memory_space<semaphore_mem>>) src(%dma_wait3A_8 : memref<1280xf32, #tpu.memory_space<hbm>>) dst(%arg11 : memref<1280xf32, #tpu.memory_space<vmem>>)
      %dma_start3A_9 = tpu.memref_slice %arg3[%mul3A_0] : memref<20480xf32, #tpu.memory_space<hbm>> -> memref<1280xf32, #tpu.memory_space<hbm>>
      %dma_start3A_10 = tpu.memref_slice %arg3[%mul3A_0] : memref<20480xf32, #tpu.memory_space<hbm>> -> memref<1280xf32, #tpu.memory_space<hbm>>
      tpu.enqueue_dma source(%dma_start3A_10 : memref<1280xf32, #tpu.memory_space<hbm>>) target(%arg12 : memref<1280xf32, #tpu.memory_space<vmem>>) target_semaphore(%arg19 : memref<!tpu.dma_semaphore, #tpu.memory_space<semaphore_mem>>)
      %dma_wait3A_11 = tpu.memref_slice %arg3[%mul3A_0] : memref<20480xf32, #tpu.memory_space<hbm>> -> memref<1280xf32, #tpu.memory_space<hbm>>
      %dma_wait3A_12 = tpu.memref_slice %arg3[%mul3A_0] : memref<20480xf32, #tpu.memory_space<hbm>> -> memref<1280xf32, #tpu.memory_space<hbm>>
      tpu.wait_dma2 semaphore(%arg19 : memref<!tpu.dma_semaphore, #tpu.memory_space<semaphore_mem>>) src(%dma_wait3A_12 : memref<1280xf32, #tpu.memory_space<hbm>>) dst(%arg12 : memref<1280xf32, #tpu.memory_space<vmem>>)
      %dma_start3A_13 = tpu.memref_slice %arg5[%mul3A_0] : memref<20480xf32, #tpu.memory_space<hbm>> -> memref<1280xf32, #tpu.memory_space<hbm>>
      %dma_start3A_14 = tpu.memref_slice %arg5[%mul3A_0] : memref<20480xf32, #tpu.memory_space<hbm>> -> memref<1280xf32, #tpu.memory_space<hbm>>
      tpu.enqueue_dma source(%dma_start3A_14 : memref<1280xf32, #tpu.memory_space<hbm>>) target(%arg13 : memref<1280xf32, #tpu.memory_space<vmem>>) target_semaphore(%arg19 : memref<!tpu.dma_semaphore, #tpu.memory_space<semaphore_mem>>)
      %dma_wait3A_15 = tpu.memref_slice %arg5[%mul3A_0] : memref<20480xf32, #tpu.memory_space<hbm>> -> memref<1280xf32, #tpu.memory_space<hbm>>
      %dma_wait3A_16 = tpu.memref_slice %arg5[%mul3A_0] : memref<20480xf32, #tpu.memory_space<hbm>> -> memref<1280xf32, #tpu.memory_space<hbm>>
      tpu.wait_dma2 semaphore(%arg19 : memref<!tpu.dma_semaphore, #tpu.memory_space<semaphore_mem>>) src(%dma_wait3A_16 : memref<1280xf32, #tpu.memory_space<hbm>>) dst(%arg13 : memref<1280xf32, #tpu.memory_space<vmem>>)
      %dma_start3A_17 = tpu.memref_slice %arg6[%mul3A_0] : memref<20480xf32, #tpu.memory_space<hbm>> -> memref<1280xf32, #tpu.memory_space<hbm>>
      %dma_start3A_18 = tpu.memref_slice %arg6[%mul3A_0] : memref<20480xf32, #tpu.memory_space<hbm>> -> memref<1280xf32, #tpu.memory_space<hbm>>
      tpu.enqueue_dma source(%dma_start3A_18 : memref<1280xf32, #tpu.memory_space<hbm>>) target(%arg15 : memref<1280xf32, #tpu.memory_space<vmem>>) target_semaphore(%arg19 : memref<!tpu.dma_semaphore, #tpu.memory_space<semaphore_mem>>)
      %dma_wait3A_19 = tpu.memref_slice %arg6[%mul3A_0] : memref<20480xf32, #tpu.memory_space<hbm>> -> memref<1280xf32, #tpu.memory_space<hbm>>
      %dma_wait3A_20 = tpu.memref_slice %arg6[%mul3A_0] : memref<20480xf32, #tpu.memory_space<hbm>> -> memref<1280xf32, #tpu.memory_space<hbm>>
      tpu.wait_dma2 semaphore(%arg19 : memref<!tpu.dma_semaphore, #tpu.memory_space<semaphore_mem>>) src(%dma_wait3A_20 : memref<1280xf32, #tpu.memory_space<hbm>>) dst(%arg15 : memref<1280xf32, #tpu.memory_space<vmem>>)
      %broadcast_in_dim3A = arith.constant 0xFF800000 : f32
      %broadcast_in_dim3A_21 = vector.broadcast %broadcast_in_dim3A : f32 to vector<16xf32>
      %broadcast_in_dim3A_22 = arith.constant 0 : i32
      %broadcast_in_dim3A_23 = vector.broadcast %broadcast_in_dim3A_22 : i32 to vector<16xi32>
      %scan3A = arith.constant 0 : i32
      %scan3A_24 = arith.constant 80 : i32
      %scan3A_25 = arith.addi %scan3A, %scan3A_24 : i32
      %scan3A_26 = arith.constant 1 : i32
      %scan3A_27:2 = scf.for %scan3A_97 = %scan3A to %scan3A_25 step %scan3A_26 iter_args(%scan3A_98 = %broadcast_in_dim3A_21, %scan3A_99 = %broadcast_in_dim3A_23) -> (vector<16xf32>, vector<16xi32>)  : i32 {
        %mul3A_100 = arith.constant 16 : i32
        %mul3A_101 = arith.muli %scan3A_97, %mul3A_100 : i32
        %get3A = arith.index_cast %mul3A_101 : i32 to index
        %get3A_102 = tpu.vector_load %arg10[%get3A] {strides = array<i32>} : memref<1280xf32, #tpu.memory_space<vmem>>, vector<16xf32>,
        %get3A_103 = arith.index_cast %mul3A_101 : i32 to index
        %get3A_104 = tpu.vector_load %arg11[%get3A_103] {strides = array<i32>} : memref<1280xf32, #tpu.memory_space<vmem>>, vector<16xf32>,
        %min3A = arith.minimumf %get3A_102, %get3A_104 : vector<16xf32>
        %swap3A_105 = arith.index_cast %mul3A_101 : i32 to index
        %swap3A_106 = tpu.vector_load %arg10[%swap3A_105] {strides = array<i32>} : memref<1280xf32, #tpu.memory_space<vmem>>, vector<16xf32>,
        tpu.vector_store %arg10[%swap3A_105], %min3A {strides = array<i32>} : memref<1280xf32, #tpu.memory_space<vmem>>, vector<16xf32>,
        %max3A = arith.maximumf %get3A_102, %get3A_104 : vector<16xf32>
        %swap3A_107 = arith.index_cast %mul3A_101 : i32 to index
        %swap3A_108 = tpu.vector_load %arg11[%swap3A_107] {strides = array<i32>} : memref<1280xf32, #tpu.memory_space<vmem>>, vector<16xf32>,
        tpu.vector_store %arg11[%swap3A_107], %max3A {strides = array<i32>} : memref<1280xf32, #tpu.memory_space<vmem>>, vector<16xf32>,
        %get3A_109 = arith.index_cast %mul3A_101 : i32 to index
        %get3A_110 = tpu.vector_load %arg12[%get3A_109] {strides = array<i32>} : memref<1280xf32, #tpu.memory_space<vmem>>, vector<16xf32>,
        %get3A_111 = arith.index_cast %mul3A_101 : i32 to index
        %get3A_112 = tpu.vector_load %arg13[%get3A_111] {strides = array<i32>} : memref<1280xf32, #tpu.memory_space<vmem>>, vector<16xf32>,
        %min3A_113 = arith.minimumf %get3A_110, %get3A_112 : vector<16xf32>
        %swap3A_114 = arith.index_cast %mul3A_101 : i32 to index
        %swap3A_115 = tpu.vector_load %arg12[%swap3A_114] {strides = array<i32>} : memref<1280xf32, #tpu.memory_space<vmem>>, vector<16xf32>,
        tpu.vector_store %arg12[%swap3A_114], %min3A_113 {strides = array<i32>} : memref<1280xf32, #tpu.memory_space<vmem>>, vector<16xf32>,
        %max3A_116 = arith.maximumf %get3A_110, %get3A_112 : vector<16xf32>
        %swap3A_117 = arith.index_cast %mul3A_101 : i32 to index
        %swap3A_118 = tpu.vector_load %arg13[%swap3A_117] {strides = array<i32>} : memref<1280xf32, #tpu.memory_space<vmem>>, vector<16xf32>,
        tpu.vector_store %arg13[%swap3A_117], %max3A_116 {strides = array<i32>} : memref<1280xf32, #tpu.memory_space<vmem>>, vector<16xf32>,
        %max3A_119 = arith.maximumf %get3A_102, %get3A_104 : vector<16xf32>
        %min3A_120 = arith.minimumf %get3A_102, %get3A_104 : vector<16xf32>
        %sub3A = arith.subf %max3A_119, %min3A_120 : vector<16xf32>
        %max3A_121 = arith.maximumf %get3A_110, %get3A_112 : vector<16xf32>
        %min3A_122 = arith.minimumf %get3A_110, %get3A_112 : vector<16xf32>
        %sub3A_123 = arith.subf %max3A_121, %min3A_122 : vector<16xf32>
        %mul3A_124 = arith.mulf %sub3A, %sub3A_123 : vector<16xf32>
        %swap3A_125 = arith.index_cast %mul3A_101 : i32 to index
        %swap3A_126 = tpu.vector_load %arg14[%swap3A_125] {strides = array<i32>} : memref<1280xf32, #tpu.memory_space<vmem>>, vector<16xf32>,
        tpu.vector_store %arg14[%swap3A_125], %mul3A_124 {strides = array<i32>} : memref<1280xf32, #tpu.memory_space<vmem>>, vector<16xf32>,
        %get3A_127 = arith.index_cast %mul3A_101 : i32 to index
        %get3A_128 = tpu.vector_load %arg15[%get3A_127] {strides = array<i32>} : memref<1280xf32, #tpu.memory_space<vmem>>, vector<16xf32>,
        %gt3A = arith.cmpf ogt, %get3A_128, %scan3A_98 : vector<16xf32>
        %select_n3A_129 = arith.select %gt3A, %get3A_128, %scan3A_98 : vector<16xi1>, vector<16xf32>
        %broadcast_in_dim3A_130 = vector.broadcast %scan3A_97 : i32 to vector<16xi32>
        %select_n3A_131 = arith.select %gt3A, %broadcast_in_dim3A_130, %scan3A_99 : vector<16xi1>, vector<16xi32>
        scf.yield %select_n3A_129, %select_n3A_131 : vector<16xf32>, vector<16xi32>
      }
      %scan3A_28 = arith.constant 80 : i32
      %reduce_max3A = arith.constant true
      %reduce_max3A_29 = vector.broadcast %reduce_max3A : i1 to vector<16xi1>
      %reduce_max3A_30 = tpu.scan <max>, %scan3A_27#0 masked %reduce_max3A_29 : vector<16xf32>, vector<16xi1> -> vector<16xf32>
      %reduce_max3A_31 = vector.extract %reduce_max3A_30[15] : f32 from vector<16xf32>
      %eq3A_32 = vector.broadcast %reduce_max3A_31 : f32 to vector<16xf32>
      %eq3A_33 = arith.cmpf oeq, %scan3A_27#0, %eq3A_32 : vector<16xf32>
      %mul3A_34 = arith.constant 16 : i32
      %mul3A_35 = vector.broadcast %mul3A_34 : i32 to vector<16xi32>
      %mul3A_36 = arith.muli %scan3A_27#1, %mul3A_35 : vector<16xi32>
      %add3A = arith.addi %mul3A_36, %iota3A : vector<16xi32>
      %jit3A = arith.constant 1073741824 : i32
      %broadcast_in_dim3A_37 = vector.broadcast %jit3A : i32 to vector<16xi32>
      %select_n3A = arith.select %eq3A_33, %add3A, %broadcast_in_dim3A_37 : vector<16xi1>, vector<16xi32>
      %reduce_min3A = arith.constant true
      %reduce_min3A_38 = vector.broadcast %reduce_min3A : i1 to vector<16xi1>
      %reduce_min3A_39 = arith.constant -2147483648 : i32
      %reduce_min3A_40 = vector.broadcast %reduce_min3A_39 : i32 to vector<16xi32>
      %reduce_min3A_41 = arith.xori %select_n3A, %reduce_min3A_40 : vector<16xi32>
      %reduce_min3A_42 = tpu.scan <min>, %reduce_min3A_41 masked %reduce_min3A_38 : vector<16xi32>, vector<16xi1> -> vector<16xi32>
      %reduce_min3A_43 = arith.xori %reduce_min3A_42, %reduce_min3A_40 : vector<16xi32>
      %reduce_min3A_44 = vector.extract %reduce_min3A_43[15] : i32 from vector<16xi32>
      %add3A_45 = arith.addi %mul3A_0, %reduce_min3A_44 : i32
      %broadcast_in_dim3A_46 = vector.broadcast %reduce_min3A_44 : i32 to vector<16xi32>
      %eq3A_47 = arith.constant 0 : i32
      %eq3A_48 = vector.broadcast %eq3A_47 : i32 to vector<16xi32>
      %eq3A_49 = arith.cmpi eq, %iota3A, %eq3A_48 : vector<16xi32>
      %jit3A_50 = arith.constant 0.000000e+00 : f32
      %broadcast_in_dim3A_51 = vector.broadcast %reduce_max3A_31 : f32 to vector<16xf32>
      %broadcast_in_dim3A_52 = vector.broadcast %jit3A_50 : f32 to vector<16xf32>
      %select_n3A_53 = arith.select %eq3A_49, %broadcast_in_dim3A_51, %broadcast_in_dim3A_52 : vector<16xi1>, vector<16xf32>
      %eq3A_54 = arith.constant 1 : i32
      %eq3A_55 = vector.broadcast %eq3A_54 : i32 to vector<16xi32>
      %eq3A_56 = arith.cmpi eq, %iota3A, %eq3A_55 : vector<16xi32>
      %convert_element_type3A_57 = arith.sitofp %add3A_45 : i32 to f32
      %broadcast_in_dim3A_58 = vector.broadcast %convert_element_type3A_57 : f32 to vector<16xf32>
      %select_n3A_59 = arith.select %eq3A_56, %broadcast_in_dim3A_58, %select_n3A_53 : vector<16xi1>, vector<16xf32>
      %eq3A_60 = arith.constant 2 : i32
      %eq3A_61 = vector.broadcast %eq3A_60 : i32 to vector<16xi32>
      %eq3A_62 = arith.cmpi eq, %iota3A, %eq3A_61 : vector<16xi32>
      %gather3A = tpu.vector_load_idx %arg10[%broadcast_in_dim3A_46] : memref<1280xf32, #tpu.memory_space<vmem>>[vector<16xi32>], vector<16xf32>,
      %select_n3A_63 = arith.select %eq3A_62, %gather3A, %select_n3A_59 : vector<16xi1>, vector<16xf32>
      %eq3A_64 = arith.constant 3 : i32
      %eq3A_65 = vector.broadcast %eq3A_64 : i32 to vector<16xi32>
      %eq3A_66 = arith.cmpi eq, %iota3A, %eq3A_65 : vector<16xi32>
      %gather3A_67 = tpu.vector_load_idx %arg11[%broadcast_in_dim3A_46] : memref<1280xf32, #tpu.memory_space<vmem>>[vector<16xi32>], vector<16xf32>,
      %select_n3A_68 = arith.select %eq3A_66, %gather3A_67, %select_n3A_63 : vector<16xi1>, vector<16xf32>
      %eq3A_69 = arith.constant 4 : i32
      %eq3A_70 = vector.broadcast %eq3A_69 : i32 to vector<16xi32>
      %eq3A_71 = arith.cmpi eq, %iota3A, %eq3A_70 : vector<16xi32>
      %gather3A_72 = tpu.vector_load_idx %arg12[%broadcast_in_dim3A_46] : memref<1280xf32, #tpu.memory_space<vmem>>[vector<16xi32>], vector<16xf32>,
      %select_n3A_73 = arith.select %eq3A_71, %gather3A_72, %select_n3A_68 : vector<16xi1>, vector<16xf32>
      %eq3A_74 = arith.constant 5 : i32
      %eq3A_75 = vector.broadcast %eq3A_74 : i32 to vector<16xi32>
      %eq3A_76 = arith.cmpi eq, %iota3A, %eq3A_75 : vector<16xi32>
      %gather3A_77 = tpu.vector_load_idx %arg13[%broadcast_in_dim3A_46] : memref<1280xf32, #tpu.memory_space<vmem>>[vector<16xi32>], vector<16xf32>,
      %select_n3A_78 = arith.select %eq3A_76, %gather3A_77, %select_n3A_73 : vector<16xi1>, vector<16xf32>
      %eq3A_79 = arith.constant 6 : i32
      %eq3A_80 = vector.broadcast %eq3A_79 : i32 to vector<16xi32>
      %eq3A_81 = arith.cmpi eq, %iota3A, %eq3A_80 : vector<16xi32>
      %gather3A_82 = tpu.vector_load_idx %arg14[%broadcast_in_dim3A_46] : memref<1280xf32, #tpu.memory_space<vmem>>[vector<16xi32>], vector<16xf32>,
      %select_n3A_83 = arith.select %eq3A_81, %gather3A_82, %select_n3A_78 : vector<16xi1>, vector<16xf32>
      %swap3A = arith.constant 0 : index
      %swap3A_84 = tpu.vector_load %arg17[%swap3A] {strides = array<i32>} : memref<16xf32, #tpu.memory_space<vmem>>, vector<16xf32>,
      tpu.vector_store %arg17[%swap3A], %select_n3A_83 {strides = array<i32>} : memref<16xf32, #tpu.memory_space<vmem>>, vector<16xf32>,
      %scan3A_85 = arith.constant 0 : i32
      %scan3A_86 = arith.constant 0 : i32
      %scan3A_87 = arith.constant 150 : i32
      %scan3A_88 = arith.addi %scan3A_86, %scan3A_87 : i32
      %scan3A_89 = arith.constant 1 : i32
      %scan3A_90 = scf.for %scan3A_97 = %scan3A_86 to %scan3A_88 step %scan3A_89 iter_args(%scan3A_98 = %scan3A_85) -> (i32)  : i32 {
        %mul3A_99 = arith.constant 2 : i32
        %mul3A_100 = arith.muli %mul3A_99, %scan3A_97 : i32
        %dma_start3A_101 = arith.constant 0 : i32
        %dma_start3A_102 = tpu.memref_slice %arg8[%arg1, %dma_start3A_101] : memref<16x16xf32, #tpu.memory_space<hbm>> -> memref<1x16xf32, #tpu.memory_space<hbm>>
        %dma_start3A_103 = tpu.memref_squeeze %dma_start3A_102 : memref<1x16xf32, #tpu.memory_space<hbm>> -> memref<16xf32, #tpu.memory_space<hbm>>
        %dma_start3A_104 = arith.constant 0 : i32
        %dma_start3A_105 = tpu.memref_slice %arg8[%arg1, %dma_start3A_104] : memref<16x16xf32, #tpu.memory_space<hbm>> -> memref<1x16xf32, #tpu.memory_space<hbm>>
        %dma_start3A_106 = tpu.memref_squeeze %dma_start3A_105 : memref<1x16xf32, #tpu.memory_space<hbm>> -> memref<16xf32, #tpu.memory_space<hbm>>
        tpu.enqueue_dma source(%arg17 : memref<16xf32, #tpu.memory_space<vmem>>) target(%dma_start3A_106 : memref<16xf32, #tpu.memory_space<hbm>>) target_semaphore(%arg20 : memref<!tpu.dma_semaphore, #tpu.memory_space<semaphore_mem>>)
        %dma_wait3A_107 = arith.constant 0 : i32
        %dma_wait3A_108 = tpu.memref_slice %arg8[%arg1, %dma_wait3A_107] : memref<16x16xf32, #tpu.memory_space<hbm>> -> memref<1x16xf32, #tpu.memory_space<hbm>>
        %dma_wait3A_109 = tpu.memref_squeeze %dma_wait3A_108 : memref<1x16xf32, #tpu.memory_space<hbm>> -> memref<16xf32, #tpu.memory_space<hbm>>
        %dma_wait3A_110 = arith.constant 0 : i32
        %dma_wait3A_111 = tpu.memref_slice %arg8[%arg1, %dma_wait3A_110] : memref<16x16xf32, #tpu.memory_space<hbm>> -> memref<1x16xf32, #tpu.memory_space<hbm>>
        %dma_wait3A_112 = tpu.memref_squeeze %dma_wait3A_111 : memref<1x16xf32, #tpu.memory_space<hbm>> -> memref<16xf32, #tpu.memory_space<hbm>>
        tpu.wait_dma2 semaphore(%arg20 : memref<!tpu.dma_semaphore, #tpu.memory_space<semaphore_mem>>) src(%arg17 : memref<16xf32, #tpu.memory_space<vmem>>) dst(%dma_wait3A_112 : memref<16xf32, #tpu.memory_space<hbm>>)
        %barrier3A = arith.constant 0 : index
        tpu.barrier barrier_id(%barrier3A)
        tpu.enqueue_dma source(%arg8 : memref<16x16xf32, #tpu.memory_space<hbm>>) target(%arg16 : memref<16x16xf32, #tpu.memory_space<vmem>>) target_semaphore(%arg21 : memref<!tpu.dma_semaphore, #tpu.memory_space<semaphore_mem>>)
        tpu.wait_dma2 semaphore(%arg21 : memref<!tpu.dma_semaphore, #tpu.memory_space<semaphore_mem>>) src(%arg8 : memref<16x16xf32, #tpu.memory_space<hbm>>) dst(%arg16 : memref<16x16xf32, #tpu.memory_space<vmem>>)
        %broadcast_in_dim3A_113 = arith.constant 0 : i32
        %broadcast_in_dim3A_114 = vector.broadcast %broadcast_in_dim3A_113 : i32 to vector<16xi32>
        %gather3A_115 = tpu.vector_load_idx %arg16[%iota3A, %broadcast_in_dim3A_114] : memref<16x16xf32, #tpu.memory_space<vmem>>[vector<16xi32>, vector<16xi32>], vector<16xf32>,
        %reduce_max3A_116 = arith.constant true
        %reduce_max3A_117 = vector.broadcast %reduce_max3A_116 : i1 to vector<16xi1>
        %reduce_max3A_118 = tpu.scan <max>, %gather3A_115 masked %reduce_max3A_117 : vector<16xf32>, vector<16xi1> -> vector<16xf32>
        %reduce_max3A_119 = vector.extract %reduce_max3A_118[15] : f32 from vector<16xf32>
        %eq3A_120 = vector.broadcast %reduce_max3A_119 : f32 to vector<16xf32>
        %eq3A_121 = arith.cmpf oeq, %gather3A_115, %eq3A_120 : vector<16xf32>
        %all_reduce_ffs3A = tpu.all_reduce %eq3A_121 {dim = 0 : i64, kind = #tpu.reduction_kind<find_first_set>} : vector<16xi1> -> vector<16xi32>
        %broadcast_in_dim3A_122 = arith.constant 1 : i32
        %broadcast_in_dim3A_123 = vector.broadcast %broadcast_in_dim3A_122 : i32 to vector<16xi32>
        %gather3A_124 = tpu.vector_load_idx %arg16[%all_reduce_ffs3A, %broadcast_in_dim3A_123] : memref<16x16xf32, #tpu.memory_space<vmem>>[vector<16xi32>, vector<16xi32>], vector<16xf32>,
        %convert_element_type3A_125 = arith.fptosi %gather3A_124 : vector<16xf32> to vector<16xi32>
        %broadcast_in_dim3A_126 = arith.constant 2 : i32
        %broadcast_in_dim3A_127 = vector.broadcast %broadcast_in_dim3A_126 : i32 to vector<16xi32>
        %gather3A_128 = tpu.vector_load_idx %arg16[%all_reduce_ffs3A, %broadcast_in_dim3A_127] : memref<16x16xf32, #tpu.memory_space<vmem>>[vector<16xi32>, vector<16xi32>], vector<16xf32>,
        %broadcast_in_dim3A_129 = arith.constant 3 : i32
        %broadcast_in_dim3A_130 = vector.broadcast %broadcast_in_dim3A_129 : i32 to vector<16xi32>
        %gather3A_131 = tpu.vector_load_idx %arg16[%all_reduce_ffs3A, %broadcast_in_dim3A_130] : memref<16x16xf32, #tpu.memory_space<vmem>>[vector<16xi32>, vector<16xi32>], vector<16xf32>,
        %broadcast_in_dim3A_132 = arith.constant 4 : i32
        %broadcast_in_dim3A_133 = vector.broadcast %broadcast_in_dim3A_132 : i32 to vector<16xi32>
        %gather3A_134 = tpu.vector_load_idx %arg16[%all_reduce_ffs3A, %broadcast_in_dim3A_133] : memref<16x16xf32, #tpu.memory_space<vmem>>[vector<16xi32>, vector<16xi32>], vector<16xf32>,
        %broadcast_in_dim3A_135 = arith.constant 5 : i32
        %broadcast_in_dim3A_136 = vector.broadcast %broadcast_in_dim3A_135 : i32 to vector<16xi32>
        %gather3A_137 = tpu.vector_load_idx %arg16[%all_reduce_ffs3A, %broadcast_in_dim3A_136] : memref<16x16xf32, #tpu.memory_space<vmem>>[vector<16xi32>, vector<16xi32>], vector<16xf32>,
        %broadcast_in_dim3A_138 = arith.constant 6 : i32
        %broadcast_in_dim3A_139 = vector.broadcast %broadcast_in_dim3A_138 : i32 to vector<16xi32>
        %gather3A_140 = tpu.vector_load_idx %arg16[%all_reduce_ffs3A, %broadcast_in_dim3A_139] : memref<16x16xf32, #tpu.memory_space<vmem>>[vector<16xi32>, vector<16xi32>], vector<16xf32>,
        %gt3A = arith.constant 0xFF800000 : f32
        %gt3A_141 = arith.cmpf ogt, %reduce_max3A_119, %gt3A : f32
        %eq3A_142 = arith.constant 0 : i32
        %eq3A_143 = arith.cmpi eq, %arg1, %eq3A_142 : i32
        %convert_element_type3A_144 = arith.extui %eq3A_143 : i1 to i32
        %cond3A_145 = arith.constant 0 : i32
        %cond3A_146 = arith.cmpi ne, %convert_element_type3A_144, %cond3A_145 : i32
        scf.if %cond3A_146 {
          %jit3A_344 = arith.constant -1 : i32
          %broadcast_in_dim3A_345 = vector.broadcast %jit3A_344 : i32 to vector<16xi32>
          %select_n3A_346 = arith.select %gt3A_141, %convert_element_type3A_125, %broadcast_in_dim3A_345 : vector<16xi32>
          %broadcast_in_dim3A_347 = vector.broadcast %mul3A_100 : i32 to vector<16xi32>
          %eq3A_348 = arith.constant 0 : i32
          %eq3A_349 = vector.broadcast %eq3A_348 : i32 to vector<16xi32>
          %eq3A_350 = arith.cmpi eq, %iota3A, %eq3A_349 : vector<16xi32>
          tpu.vector_store_idx %arg18[%broadcast_in_dim3A_347], %select_n3A_346 masked %eq3A_350 : memref<304xi32, #tpu.memory_space<vmem>>[vector<16xi32>], vector<16xi32>, vector<16xi1>
        } else {
        }
        %le3A = arith.constant 0.000000e+00 : f32
        %le3A_147 = vector.broadcast %le3A : f32 to vector<16xf32>
        %le3A_148 = arith.cmpf ole, %gather3A_140, %le3A_147 : vector<16xf32>
        %scan3A_149 = arith.constant 0 : i32
        %scan3A_150 = arith.constant 80 : i32
        %scan3A_151 = arith.addi %scan3A_149, %scan3A_150 : i32
        %scan3A_152 = arith.constant 1 : i32
        %scan3A_153:2 = scf.for %scan3A_344 = %scan3A_149 to %scan3A_151 step %scan3A_152 iter_args(%scan3A_345 = %broadcast_in_dim3A_21, %scan3A_346 = %broadcast_in_dim3A_23) -> (vector<16xf32>, vector<16xi32>)  : i32 {
          %mul3A_347 = arith.constant 16 : i32
          %mul3A_348 = arith.muli %scan3A_344, %mul3A_347 : i32
          %get3A = arith.index_cast %mul3A_348 : i32 to index
          %get3A_349 = tpu.vector_load %arg10[%get3A] {strides = array<i32>} : memref<1280xf32, #tpu.memory_space<vmem>>, vector<16xf32>,
          %get3A_350 = arith.index_cast %mul3A_348 : i32 to index
          %get3A_351 = tpu.vector_load %arg11[%get3A_350] {strides = array<i32>} : memref<1280xf32, #tpu.memory_space<vmem>>, vector<16xf32>,
          %get3A_352 = arith.index_cast %mul3A_348 : i32 to index
          %get3A_353 = tpu.vector_load %arg12[%get3A_352] {strides = array<i32>} : memref<1280xf32, #tpu.memory_space<vmem>>, vector<16xf32>,
          %get3A_354 = arith.index_cast %mul3A_348 : i32 to index
          %get3A_355 = tpu.vector_load %arg13[%get3A_354] {strides = array<i32>} : memref<1280xf32, #tpu.memory_space<vmem>>, vector<16xf32>,
          %get3A_356 = arith.index_cast %mul3A_348 : i32 to index
          %get3A_357 = tpu.vector_load %arg14[%get3A_356] {strides = array<i32>} : memref<1280xf32, #tpu.memory_space<vmem>>, vector<16xf32>,
          %get3A_358 = arith.index_cast %mul3A_348 : i32 to index
          %get3A_359 = tpu.vector_load %arg15[%get3A_358] {strides = array<i32>} : memref<1280xf32, #tpu.memory_space<vmem>>, vector<16xf32>,
          %max3A = arith.maximumf %get3A_349, %gather3A_128 : vector<16xf32>
          %max3A_360 = arith.maximumf %get3A_353, %gather3A_134 : vector<16xf32>
          %min3A = arith.minimumf %get3A_351, %gather3A_131 : vector<16xf32>
          %min3A_361 = arith.minimumf %get3A_355, %gather3A_137 : vector<16xf32>
          %sub3A = arith.subf %min3A, %max3A : vector<16xf32>
          %max3A_362 = arith.constant 0.000000e+00 : f32
          %max3A_363 = vector.broadcast %max3A_362 : f32 to vector<16xf32>
          %max3A_364 = arith.maximumf %sub3A, %max3A_363 : vector<16xf32>
          %sub3A_365 = arith.subf %min3A_361, %max3A_360 : vector<16xf32>
          %max3A_366 = arith.constant 0.000000e+00 : f32
          %max3A_367 = vector.broadcast %max3A_366 : f32 to vector<16xf32>
          %max3A_368 = arith.maximumf %sub3A_365, %max3A_367 : vector<16xf32>
          %mul3A_369 = arith.mulf %max3A_364, %max3A_368 : vector<16xf32>
          %add3A_370 = arith.addf %gather3A_140, %get3A_357 : vector<16xf32>
          %sub3A_371 = arith.subf %add3A_370, %mul3A_369 : vector<16xf32>
          %le3A_372 = arith.constant 0.000000e+00 : f32
          %le3A_373 = vector.broadcast %le3A_372 : f32 to vector<16xf32>
          %le3A_374 = arith.cmpf ole, %get3A_357, %le3A_373 : vector<16xf32>
          %or3A = arith.ori %le3A_148, %le3A_374 : vector<16xi1>
          %div3A = arith.divf %mul3A_369, %sub3A_371 : vector<16xf32>
          %jit3A_375 = arith.constant 0.000000e+00 : f32
          %broadcast_in_dim3A_376 = vector.broadcast %jit3A_375 : f32 to vector<16xf32>
          %select_n3A_377 = arith.select %or3A, %broadcast_in_dim3A_376, %div3A : vector<16xi1>, vector<16xf32>
          %mul3A_378 = arith.constant 16 : i32
          %mul3A_379 = arith.muli %scan3A_344, %mul3A_378 : i32
          %add3A_380 = arith.addi %mul3A_0, %mul3A_379 : i32
          %add3A_381 = vector.broadcast %add3A_380 : i32 to vector<16xi32>
          %add3A_382 = arith.addi %add3A_381, %iota3A : vector<16xi32>
          %gt3A_383 = arith.constant 3.000000e-01 : f32
          %gt3A_384 = vector.broadcast %gt3A_383 : f32 to vector<16xf32>
          %gt3A_385 = arith.cmpf ogt, %select_n3A_377, %gt3A_384 : vector<16xf32>
          %eq3A_386 = arith.cmpi eq, %add3A_382, %convert_element_type3A_125 : vector<16xi32>
          %or3A_387 = arith.ori %gt3A_385, %eq3A_386 : vector<16xi1>
          %jit3A_388 = arith.constant 0xFF800000 : f32
          %broadcast_in_dim3A_389 = vector.broadcast %jit3A_388 : f32 to vector<16xf32>
          %select_n3A_390 = arith.select %or3A_387, %broadcast_in_dim3A_389, %get3A_359 : vector<16xi1>, vector<16xf32>
          %swap3A_391 = arith.index_cast %mul3A_348 : i32 to index
          %swap3A_392 = tpu.vector_load %arg15[%swap3A_391] {strides = array<i32>} : memref<1280xf32, #tpu.memory_space<vmem>>, vector<16xf32>,
          tpu.vector_store %arg15[%swap3A_391], %select_n3A_390 {strides = array<i32>} : memref<1280xf32, #tpu.memory_space<vmem>>, vector<16xf32>,
          %gt3A_393 = arith.cmpf ogt, %select_n3A_390, %scan3A_345 : vector<16xf32>
          %select_n3A_394 = arith.select %gt3A_393, %select_n3A_390, %scan3A_345 : vector<16xi1>, vector<16xf32>
          %broadcast_in_dim3A_395 = vector.broadcast %scan3A_344 : i32 to vector<16xi32>
          %select_n3A_396 = arith.select %gt3A_393, %broadcast_in_dim3A_395, %scan3A_346 : vector<16xi1>, vector<16xi32>
          scf.yield %select_n3A_394, %select_n3A_396 : vector<16xf32>, vector<16xi32>
        }
        %scan3A_154 = arith.constant 80 : i32
        %reduce_max3A_155 = arith.constant true
        %reduce_max3A_156 = vector.broadcast %reduce_max3A_155 : i1 to vector<16xi1>
        %reduce_max3A_157 = tpu.scan <max>, %scan3A_153#0 masked %reduce_max3A_156 : vector<16xf32>, vector<16xi1> -> vector<16xf32>
        %reduce_max3A_158 = vector.extract %reduce_max3A_157[15] : f32 from vector<16xf32>
        %eq3A_159 = vector.broadcast %reduce_max3A_158 : f32 to vector<16xf32>
        %eq3A_160 = arith.cmpf oeq, %scan3A_153#0, %eq3A_159 : vector<16xf32>
        %mul3A_161 = arith.constant 16 : i32
        %mul3A_162 = vector.broadcast %mul3A_161 : i32 to vector<16xi32>
        %mul3A_163 = arith.muli %scan3A_153#1, %mul3A_162 : vector<16xi32>
        %add3A_164 = arith.addi %mul3A_163, %iota3A : vector<16xi32>
        %jit3A_165 = arith.constant 1073741824 : i32
        %broadcast_in_dim3A_166 = vector.broadcast %jit3A_165 : i32 to vector<16xi32>
        %select_n3A_167 = arith.select %eq3A_160, %add3A_164, %broadcast_in_dim3A_166 : vector<16xi1>, vector<16xi32>
        %reduce_min3A_168 = arith.constant true
        %reduce_min3A_169 = vector.broadcast %reduce_min3A_168 : i1 to vector<16xi1>
        %reduce_min3A_170 = arith.constant -2147483648 : i32
        %reduce_min3A_171 = vector.broadcast %reduce_min3A_170 : i32 to vector<16xi32>
        %reduce_min3A_172 = arith.xori %select_n3A_167, %reduce_min3A_171 : vector<16xi32>
        %reduce_min3A_173 = tpu.scan <min>, %reduce_min3A_172 masked %reduce_min3A_169 : vector<16xi32>, vector<16xi1> -> vector<16xi32>
        %reduce_min3A_174 = arith.xori %reduce_min3A_173, %reduce_min3A_171 : vector<16xi32>
        %reduce_min3A_175 = vector.extract %reduce_min3A_174[15] : i32 from vector<16xi32>
        %add3A_176 = arith.addi %mul3A_0, %reduce_min3A_175 : i32
        %broadcast_in_dim3A_177 = vector.broadcast %reduce_min3A_175 : i32 to vector<16xi32>
        %eq3A_178 = arith.constant 0 : i32
        %eq3A_179 = vector.broadcast %eq3A_178 : i32 to vector<16xi32>
        %eq3A_180 = arith.cmpi eq, %iota3A, %eq3A_179 : vector<16xi32>
        %jit3A_181 = arith.constant 0.000000e+00 : f32
        %broadcast_in_dim3A_182 = vector.broadcast %reduce_max3A_158 : f32 to vector<16xf32>
        %broadcast_in_dim3A_183 = vector.broadcast %jit3A_181 : f32 to vector<16xf32>
        %select_n3A_184 = arith.select %eq3A_180, %broadcast_in_dim3A_182, %broadcast_in_dim3A_183 : vector<16xi1>, vector<16xf32>
        %eq3A_185 = arith.constant 1 : i32
        %eq3A_186 = vector.broadcast %eq3A_185 : i32 to vector<16xi32>
        %eq3A_187 = arith.cmpi eq, %iota3A, %eq3A_186 : vector<16xi32>
        %convert_element_type3A_188 = arith.sitofp %add3A_176 : i32 to f32
        %broadcast_in_dim3A_189 = vector.broadcast %convert_element_type3A_188 : f32 to vector<16xf32>
        %select_n3A_190 = arith.select %eq3A_187, %broadcast_in_dim3A_189, %select_n3A_184 : vector<16xi1>, vector<16xf32>
        %eq3A_191 = arith.constant 2 : i32
        %eq3A_192 = vector.broadcast %eq3A_191 : i32 to vector<16xi32>
        %eq3A_193 = arith.cmpi eq, %iota3A, %eq3A_192 : vector<16xi32>
        %gather3A_194 = tpu.vector_load_idx %arg10[%broadcast_in_dim3A_177] : memref<1280xf32, #tpu.memory_space<vmem>>[vector<16xi32>], vector<16xf32>,
        %select_n3A_195 = arith.select %eq3A_193, %gather3A_194, %select_n3A_190 : vector<16xi1>, vector<16xf32>
        %eq3A_196 = arith.constant 3 : i32
        %eq3A_197 = vector.broadcast %eq3A_196 : i32 to vector<16xi32>
        %eq3A_198 = arith.cmpi eq, %iota3A, %eq3A_197 : vector<16xi32>
        %gather3A_199 = tpu.vector_load_idx %arg11[%broadcast_in_dim3A_177] : memref<1280xf32, #tpu.memory_space<vmem>>[vector<16xi32>], vector<16xf32>,
        %select_n3A_200 = arith.select %eq3A_198, %gather3A_199, %select_n3A_195 : vector<16xi1>, vector<16xf32>
        %eq3A_201 = arith.constant 4 : i32
        %eq3A_202 = vector.broadcast %eq3A_201 : i32 to vector<16xi32>
        %eq3A_203 = arith.cmpi eq, %iota3A, %eq3A_202 : vector<16xi32>
        %gather3A_204 = tpu.vector_load_idx %arg12[%broadcast_in_dim3A_177] : memref<1280xf32, #tpu.memory_space<vmem>>[vector<16xi32>], vector<16xf32>,
        %select_n3A_205 = arith.select %eq3A_203, %gather3A_204, %select_n3A_200 : vector<16xi1>, vector<16xf32>
        %eq3A_206 = arith.constant 5 : i32
        %eq3A_207 = vector.broadcast %eq3A_206 : i32 to vector<16xi32>
        %eq3A_208 = arith.cmpi eq, %iota3A, %eq3A_207 : vector<16xi32>
        %gather3A_209 = tpu.vector_load_idx %arg13[%broadcast_in_dim3A_177] : memref<1280xf32, #tpu.memory_space<vmem>>[vector<16xi32>], vector<16xf32>,
        %select_n3A_210 = arith.select %eq3A_208, %gather3A_209, %select_n3A_205 : vector<16xi1>, vector<16xf32>
        %eq3A_211 = arith.constant 6 : i32
        %eq3A_212 = vector.broadcast %eq3A_211 : i32 to vector<16xi32>
        %eq3A_213 = arith.cmpi eq, %iota3A, %eq3A_212 : vector<16xi32>
        %gather3A_214 = tpu.vector_load_idx %arg14[%broadcast_in_dim3A_177] : memref<1280xf32, #tpu.memory_space<vmem>>[vector<16xi32>], vector<16xf32>,
        %select_n3A_215 = arith.select %eq3A_213, %gather3A_214, %select_n3A_210 : vector<16xi1>, vector<16xf32>
        %swap3A_216 = arith.constant 0 : index
        %swap3A_217 = tpu.vector_load %arg17[%swap3A_216] {strides = array<i32>} : memref<16xf32, #tpu.memory_space<vmem>>, vector<16xf32>,
        tpu.vector_store %arg17[%swap3A_216], %select_n3A_215 {strides = array<i32>} : memref<16xf32, #tpu.memory_space<vmem>>, vector<16xf32>,
        %mul3A_218 = arith.constant 2 : i32
        %mul3A_219 = arith.muli %mul3A_218, %scan3A_97 : i32
        %add3A_220 = arith.constant 1 : i32
        %add3A_221 = arith.addi %mul3A_219, %add3A_220 : i32
        %dma_start3A_222 = arith.constant 0 : i32
        %dma_start3A_223 = tpu.memref_slice %arg9[%arg1, %dma_start3A_222] : memref<16x16xf32, #tpu.memory_space<hbm>> -> memref<1x16xf32, #tpu.memory_space<hbm>>
        %dma_start3A_224 = tpu.memref_squeeze %dma_start3A_223 : memref<1x16xf32, #tpu.memory_space<hbm>> -> memref<16xf32, #tpu.memory_space<hbm>>
        %dma_start3A_225 = arith.constant 0 : i32
        %dma_start3A_226 = tpu.memref_slice %arg9[%arg1, %dma_start3A_225] : memref<16x16xf32, #tpu.memory_space<hbm>> -> memref<1x16xf32, #tpu.memory_space<hbm>>
        %dma_start3A_227 = tpu.memref_squeeze %dma_start3A_226 : memref<1x16xf32, #tpu.memory_space<hbm>> -> memref<16xf32, #tpu.memory_space<hbm>>
        tpu.enqueue_dma source(%arg17 : memref<16xf32, #tpu.memory_space<vmem>>) target(%dma_start3A_227 : memref<16xf32, #tpu.memory_space<hbm>>) target_semaphore(%arg20 : memref<!tpu.dma_semaphore, #tpu.memory_space<semaphore_mem>>)
        %dma_wait3A_228 = arith.constant 0 : i32
        %dma_wait3A_229 = tpu.memref_slice %arg9[%arg1, %dma_wait3A_228] : memref<16x16xf32, #tpu.memory_space<hbm>> -> memref<1x16xf32, #tpu.memory_space<hbm>>
        %dma_wait3A_230 = tpu.memref_squeeze %dma_wait3A_229 : memref<1x16xf32, #tpu.memory_space<hbm>> -> memref<16xf32, #tpu.memory_space<hbm>>
        %dma_wait3A_231 = arith.constant 0 : i32
        %dma_wait3A_232 = tpu.memref_slice %arg9[%arg1, %dma_wait3A_231] : memref<16x16xf32, #tpu.memory_space<hbm>> -> memref<1x16xf32, #tpu.memory_space<hbm>>
        %dma_wait3A_233 = tpu.memref_squeeze %dma_wait3A_232 : memref<1x16xf32, #tpu.memory_space<hbm>> -> memref<16xf32, #tpu.memory_space<hbm>>
        tpu.wait_dma2 semaphore(%arg20 : memref<!tpu.dma_semaphore, #tpu.memory_space<semaphore_mem>>) src(%arg17 : memref<16xf32, #tpu.memory_space<vmem>>) dst(%dma_wait3A_233 : memref<16xf32, #tpu.memory_space<hbm>>)
        %barrier3A_234 = arith.constant 0 : index
        tpu.barrier barrier_id(%barrier3A_234)
        tpu.enqueue_dma source(%arg9 : memref<16x16xf32, #tpu.memory_space<hbm>>) target(%arg16 : memref<16x16xf32, #tpu.memory_space<vmem>>) target_semaphore(%arg21 : memref<!tpu.dma_semaphore, #tpu.memory_space<semaphore_mem>>)
        tpu.wait_dma2 semaphore(%arg21 : memref<!tpu.dma_semaphore, #tpu.memory_space<semaphore_mem>>) src(%arg9 : memref<16x16xf32, #tpu.memory_space<hbm>>) dst(%arg16 : memref<16x16xf32, #tpu.memory_space<vmem>>)
        %broadcast_in_dim3A_235 = arith.constant 0 : i32
        %broadcast_in_dim3A_236 = vector.broadcast %broadcast_in_dim3A_235 : i32 to vector<16xi32>
        %gather3A_237 = tpu.vector_load_idx %arg16[%iota3A, %broadcast_in_dim3A_236] : memref<16x16xf32, #tpu.memory_space<vmem>>[vector<16xi32>, vector<16xi32>], vector<16xf32>,
        %reduce_max3A_238 = arith.constant true
        %reduce_max3A_239 = vector.broadcast %reduce_max3A_238 : i1 to vector<16xi1>
        %reduce_max3A_240 = tpu.scan <max>, %gather3A_237 masked %reduce_max3A_239 : vector<16xf32>, vector<16xi1> -> vector<16xf32>
        %reduce_max3A_241 = vector.extract %reduce_max3A_240[15] : f32 from vector<16xf32>
        %eq3A_242 = vector.broadcast %reduce_max3A_241 : f32 to vector<16xf32>
        %eq3A_243 = arith.cmpf oeq, %gather3A_237, %eq3A_242 : vector<16xf32>
        %all_reduce_ffs3A_244 = tpu.all_reduce %eq3A_243 {dim = 0 : i64, kind = #tpu.reduction_kind<find_first_set>} : vector<16xi1> -> vector<16xi32>
        %broadcast_in_dim3A_245 = arith.constant 1 : i32
        %broadcast_in_dim3A_246 = vector.broadcast %broadcast_in_dim3A_245 : i32 to vector<16xi32>
        %gather3A_247 = tpu.vector_load_idx %arg16[%all_reduce_ffs3A_244, %broadcast_in_dim3A_246] : memref<16x16xf32, #tpu.memory_space<vmem>>[vector<16xi32>, vector<16xi32>], vector<16xf32>,
        %convert_element_type3A_248 = arith.fptosi %gather3A_247 : vector<16xf32> to vector<16xi32>
        %broadcast_in_dim3A_249 = arith.constant 2 : i32
        %broadcast_in_dim3A_250 = vector.broadcast %broadcast_in_dim3A_249 : i32 to vector<16xi32>
        %gather3A_251 = tpu.vector_load_idx %arg16[%all_reduce_ffs3A_244, %broadcast_in_dim3A_250] : memref<16x16xf32, #tpu.memory_space<vmem>>[vector<16xi32>, vector<16xi32>], vector<16xf32>,
        %broadcast_in_dim3A_252 = arith.constant 3 : i32
        %broadcast_in_dim3A_253 = vector.broadcast %broadcast_in_dim3A_252 : i32 to vector<16xi32>
        %gather3A_254 = tpu.vector_load_idx %arg16[%all_reduce_ffs3A_244, %broadcast_in_dim3A_253] : memref<16x16xf32, #tpu.memory_space<vmem>>[vector<16xi32>, vector<16xi32>], vector<16xf32>,
        %broadcast_in_dim3A_255 = arith.constant 4 : i32
        %broadcast_in_dim3A_256 = vector.broadcast %broadcast_in_dim3A_255 : i32 to vector<16xi32>
        %gather3A_257 = tpu.vector_load_idx %arg16[%all_reduce_ffs3A_244, %broadcast_in_dim3A_256] : memref<16x16xf32, #tpu.memory_space<vmem>>[vector<16xi32>, vector<16xi32>], vector<16xf32>,
        %broadcast_in_dim3A_258 = arith.constant 5 : i32
        %broadcast_in_dim3A_259 = vector.broadcast %broadcast_in_dim3A_258 : i32 to vector<16xi32>
        %gather3A_260 = tpu.vector_load_idx %arg16[%all_reduce_ffs3A_244, %broadcast_in_dim3A_259] : memref<16x16xf32, #tpu.memory_space<vmem>>[vector<16xi32>, vector<16xi32>], vector<16xf32>,
        %broadcast_in_dim3A_261 = arith.constant 6 : i32
        %broadcast_in_dim3A_262 = vector.broadcast %broadcast_in_dim3A_261 : i32 to vector<16xi32>
        %gather3A_263 = tpu.vector_load_idx %arg16[%all_reduce_ffs3A_244, %broadcast_in_dim3A_262] : memref<16x16xf32, #tpu.memory_space<vmem>>[vector<16xi32>, vector<16xi32>], vector<16xf32>,
        %gt3A_264 = arith.constant 0xFF800000 : f32
        %gt3A_265 = arith.cmpf ogt, %reduce_max3A_241, %gt3A_264 : f32
        %eq3A_266 = arith.constant 0 : i32
        %eq3A_267 = arith.cmpi eq, %arg1, %eq3A_266 : i32
        %convert_element_type3A_268 = arith.extui %eq3A_267 : i1 to i32
        %cond3A_269 = arith.constant 0 : i32
        %cond3A_270 = arith.cmpi ne, %convert_element_type3A_268, %cond3A_269 : i32
        scf.if %cond3A_270 {
          %jit3A_344 = arith.constant -1 : i32
          %broadcast_in_dim3A_345 = vector.broadcast %jit3A_344 : i32 to vector<16xi32>
          %select_n3A_346 = arith.select %gt3A_265, %convert_element_type3A_248, %broadcast_in_dim3A_345 : vector<16xi32>
          %broadcast_in_dim3A_347 = vector.broadcast %add3A_221 : i32 to vector<16xi32>
          %eq3A_348 = arith.constant 0 : i32
          %eq3A_349 = vector.broadcast %eq3A_348 : i32 to vector<16xi32>
          %eq3A_350 = arith.cmpi eq, %iota3A, %eq3A_349 : vector<16xi32>
          tpu.vector_store_idx %arg18[%broadcast_in_dim3A_347], %select_n3A_346 masked %eq3A_350 : memref<304xi32, #tpu.memory_space<vmem>>[vector<16xi32>], vector<16xi32>, vector<16xi1>
        } else {
        }
        %le3A_271 = arith.constant 0.000000e+00 : f32
        %le3A_272 = vector.broadcast %le3A_271 : f32 to vector<16xf32>
        %le3A_273 = arith.cmpf ole, %gather3A_263, %le3A_272 : vector<16xf32>
        %scan3A_274 = arith.constant 0 : i32
        %scan3A_275 = arith.constant 80 : i32
        %scan3A_276 = arith.addi %scan3A_274, %scan3A_275 : i32
        %scan3A_277 = arith.constant 1 : i32
        %scan3A_278:2 = scf.for %scan3A_344 = %scan3A_274 to %scan3A_276 step %scan3A_277 iter_args(%scan3A_345 = %broadcast_in_dim3A_21, %scan3A_346 = %broadcast_in_dim3A_23) -> (vector<16xf32>, vector<16xi32>)  : i32 {
          %mul3A_347 = arith.constant 16 : i32
          %mul3A_348 = arith.muli %scan3A_344, %mul3A_347 : i32
          %get3A = arith.index_cast %mul3A_348 : i32 to index
          %get3A_349 = tpu.vector_load %arg10[%get3A] {strides = array<i32>} : memref<1280xf32, #tpu.memory_space<vmem>>, vector<16xf32>,
          %get3A_350 = arith.index_cast %mul3A_348 : i32 to index
          %get3A_351 = tpu.vector_load %arg11[%get3A_350] {strides = array<i32>} : memref<1280xf32, #tpu.memory_space<vmem>>, vector<16xf32>,
          %get3A_352 = arith.index_cast %mul3A_348 : i32 to index
          %get3A_353 = tpu.vector_load %arg12[%get3A_352] {strides = array<i32>} : memref<1280xf32, #tpu.memory_space<vmem>>, vector<16xf32>,
          %get3A_354 = arith.index_cast %mul3A_348 : i32 to index
          %get3A_355 = tpu.vector_load %arg13[%get3A_354] {strides = array<i32>} : memref<1280xf32, #tpu.memory_space<vmem>>, vector<16xf32>,
          %get3A_356 = arith.index_cast %mul3A_348 : i32 to index
          %get3A_357 = tpu.vector_load %arg14[%get3A_356] {strides = array<i32>} : memref<1280xf32, #tpu.memory_space<vmem>>, vector<16xf32>,
          %get3A_358 = arith.index_cast %mul3A_348 : i32 to index
          %get3A_359 = tpu.vector_load %arg15[%get3A_358] {strides = array<i32>} : memref<1280xf32, #tpu.memory_space<vmem>>, vector<16xf32>,
          %max3A = arith.maximumf %get3A_349, %gather3A_251 : vector<16xf32>
          %max3A_360 = arith.maximumf %get3A_353, %gather3A_257 : vector<16xf32>
          %min3A = arith.minimumf %get3A_351, %gather3A_254 : vector<16xf32>
          %min3A_361 = arith.minimumf %get3A_355, %gather3A_260 : vector<16xf32>
          %sub3A = arith.subf %min3A, %max3A : vector<16xf32>
          %max3A_362 = arith.constant 0.000000e+00 : f32
          %max3A_363 = vector.broadcast %max3A_362 : f32 to vector<16xf32>
          %max3A_364 = arith.maximumf %sub3A, %max3A_363 : vector<16xf32>
          %sub3A_365 = arith.subf %min3A_361, %max3A_360 : vector<16xf32>
          %max3A_366 = arith.constant 0.000000e+00 : f32
          %max3A_367 = vector.broadcast %max3A_366 : f32 to vector<16xf32>
          %max3A_368 = arith.maximumf %sub3A_365, %max3A_367 : vector<16xf32>
          %mul3A_369 = arith.mulf %max3A_364, %max3A_368 : vector<16xf32>
          %add3A_370 = arith.addf %gather3A_263, %get3A_357 : vector<16xf32>
          %sub3A_371 = arith.subf %add3A_370, %mul3A_369 : vector<16xf32>
          %le3A_372 = arith.constant 0.000000e+00 : f32
          %le3A_373 = vector.broadcast %le3A_372 : f32 to vector<16xf32>
          %le3A_374 = arith.cmpf ole, %get3A_357, %le3A_373 : vector<16xf32>
          %or3A = arith.ori %le3A_273, %le3A_374 : vector<16xi1>
          %div3A = arith.divf %mul3A_369, %sub3A_371 : vector<16xf32>
          %jit3A_375 = arith.constant 0.000000e+00 : f32
          %broadcast_in_dim3A_376 = vector.broadcast %jit3A_375 : f32 to vector<16xf32>
          %select_n3A_377 = arith.select %or3A, %broadcast_in_dim3A_376, %div3A : vector<16xi1>, vector<16xf32>
          %mul3A_378 = arith.constant 16 : i32
          %mul3A_379 = arith.muli %scan3A_344, %mul3A_378 : i32
          %add3A_380 = arith.addi %mul3A_0, %mul3A_379 : i32
          %add3A_381 = vector.broadcast %add3A_380 : i32 to vector<16xi32>
          %add3A_382 = arith.addi %add3A_381, %iota3A : vector<16xi32>
          %gt3A_383 = arith.constant 3.000000e-01 : f32
          %gt3A_384 = vector.broadcast %gt3A_383 : f32 to vector<16xf32>
          %gt3A_385 = arith.cmpf ogt, %select_n3A_377, %gt3A_384 : vector<16xf32>
          %eq3A_386 = arith.cmpi eq, %add3A_382, %convert_element_type3A_248 : vector<16xi32>
          %or3A_387 = arith.ori %gt3A_385, %eq3A_386 : vector<16xi1>
          %jit3A_388 = arith.constant 0xFF800000 : f32
          %broadcast_in_dim3A_389 = vector.broadcast %jit3A_388 : f32 to vector<16xf32>
          %select_n3A_390 = arith.select %or3A_387, %broadcast_in_dim3A_389, %get3A_359 : vector<16xi1>, vector<16xf32>
          %swap3A_391 = arith.index_cast %mul3A_348 : i32 to index
          %swap3A_392 = tpu.vector_load %arg15[%swap3A_391] {strides = array<i32>} : memref<1280xf32, #tpu.memory_space<vmem>>, vector<16xf32>,
          tpu.vector_store %arg15[%swap3A_391], %select_n3A_390 {strides = array<i32>} : memref<1280xf32, #tpu.memory_space<vmem>>, vector<16xf32>,
          %gt3A_393 = arith.cmpf ogt, %select_n3A_390, %scan3A_345 : vector<16xf32>
          %select_n3A_394 = arith.select %gt3A_393, %select_n3A_390, %scan3A_345 : vector<16xi1>, vector<16xf32>
          %broadcast_in_dim3A_395 = vector.broadcast %scan3A_344 : i32 to vector<16xi32>
          %select_n3A_396 = arith.select %gt3A_393, %broadcast_in_dim3A_395, %scan3A_346 : vector<16xi1>, vector<16xi32>
          scf.yield %select_n3A_394, %select_n3A_396 : vector<16xf32>, vector<16xi32>
        }
        %scan3A_279 = arith.constant 80 : i32
        %reduce_max3A_280 = arith.constant true
        %reduce_max3A_281 = vector.broadcast %reduce_max3A_280 : i1 to vector<16xi1>
        %reduce_max3A_282 = tpu.scan <max>, %scan3A_278#0 masked %reduce_max3A_281 : vector<16xf32>, vector<16xi1> -> vector<16xf32>
        %reduce_max3A_283 = vector.extract %reduce_max3A_282[15] : f32 from vector<16xf32>
        %eq3A_284 = vector.broadcast %reduce_max3A_283 : f32 to vector<16xf32>
        %eq3A_285 = arith.cmpf oeq, %scan3A_278#0, %eq3A_284 : vector<16xf32>
        %mul3A_286 = arith.constant 16 : i32
        %mul3A_287 = vector.broadcast %mul3A_286 : i32 to vector<16xi32>
        %mul3A_288 = arith.muli %scan3A_278#1, %mul3A_287 : vector<16xi32>
        %add3A_289 = arith.addi %mul3A_288, %iota3A : vector<16xi32>
        %jit3A_290 = arith.constant 1073741824 : i32
        %broadcast_in_dim3A_291 = vector.broadcast %jit3A_290 : i32 to vector<16xi32>
        %select_n3A_292 = arith.select %eq3A_285, %add3A_289, %broadcast_in_dim3A_291 : vector<16xi1>, vector<16xi32>
        %reduce_min3A_293 = arith.constant true
        %reduce_min3A_294 = vector.broadcast %reduce_min3A_293 : i1 to vector<16xi1>
        %reduce_min3A_295 = arith.constant -2147483648 : i32
        %reduce_min3A_296 = vector.broadcast %reduce_min3A_295 : i32 to vector<16xi32>
        %reduce_min3A_297 = arith.xori %select_n3A_292, %reduce_min3A_296 : vector<16xi32>
        %reduce_min3A_298 = tpu.scan <min>, %reduce_min3A_297 masked %reduce_min3A_294 : vector<16xi32>, vector<16xi1> -> vector<16xi32>
        %reduce_min3A_299 = arith.xori %reduce_min3A_298, %reduce_min3A_296 : vector<16xi32>
        %reduce_min3A_300 = vector.extract %reduce_min3A_299[15] : i32 from vector<16xi32>
        %add3A_301 = arith.addi %mul3A_0, %reduce_min3A_300 : i32
        %broadcast_in_dim3A_302 = vector.broadcast %reduce_min3A_300 : i32 to vector<16xi32>
        %eq3A_303 = arith.constant 0 : i32
        %eq3A_304 = vector.broadcast %eq3A_303 : i32 to vector<16xi32>
        %eq3A_305 = arith.cmpi eq, %iota3A, %eq3A_304 : vector<16xi32>
        %jit3A_306 = arith.constant 0.000000e+00 : f32
        %broadcast_in_dim3A_307 = vector.broadcast %reduce_max3A_283 : f32 to vector<16xf32>
        %broadcast_in_dim3A_308 = vector.broadcast %jit3A_306 : f32 to vector<16xf32>
        %select_n3A_309 = arith.select %eq3A_305, %broadcast_in_dim3A_307, %broadcast_in_dim3A_308 : vector<16xi1>, vector<16xf32>
        %eq3A_310 = arith.constant 1 : i32
        %eq3A_311 = vector.broadcast %eq3A_310 : i32 to vector<16xi32>
        %eq3A_312 = arith.cmpi eq, %iota3A, %eq3A_311 : vector<16xi32>
        %convert_element_type3A_313 = arith.sitofp %add3A_301 : i32 to f32
        %broadcast_in_dim3A_314 = vector.broadcast %convert_element_type3A_313 : f32 to vector<16xf32>
        %select_n3A_315 = arith.select %eq3A_312, %broadcast_in_dim3A_314, %select_n3A_309 : vector<16xi1>, vector<16xf32>
        %eq3A_316 = arith.constant 2 : i32
        %eq3A_317 = vector.broadcast %eq3A_316 : i32 to vector<16xi32>
        %eq3A_318 = arith.cmpi eq, %iota3A, %eq3A_317 : vector<16xi32>
        %gather3A_319 = tpu.vector_load_idx %arg10[%broadcast_in_dim3A_302] : memref<1280xf32, #tpu.memory_space<vmem>>[vector<16xi32>], vector<16xf32>,
        %select_n3A_320 = arith.select %eq3A_318, %gather3A_319, %select_n3A_315 : vector<16xi1>, vector<16xf32>
        %eq3A_321 = arith.constant 3 : i32
        %eq3A_322 = vector.broadcast %eq3A_321 : i32 to vector<16xi32>
        %eq3A_323 = arith.cmpi eq, %iota3A, %eq3A_322 : vector<16xi32>
        %gather3A_324 = tpu.vector_load_idx %arg11[%broadcast_in_dim3A_302] : memref<1280xf32, #tpu.memory_space<vmem>>[vector<16xi32>], vector<16xf32>,
        %select_n3A_325 = arith.select %eq3A_323, %gather3A_324, %select_n3A_320 : vector<16xi1>, vector<16xf32>
        %eq3A_326 = arith.constant 4 : i32
        %eq3A_327 = vector.broadcast %eq3A_326 : i32 to vector<16xi32>
        %eq3A_328 = arith.cmpi eq, %iota3A, %eq3A_327 : vector<16xi32>
        %gather3A_329 = tpu.vector_load_idx %arg12[%broadcast_in_dim3A_302] : memref<1280xf32, #tpu.memory_space<vmem>>[vector<16xi32>], vector<16xf32>,
        %select_n3A_330 = arith.select %eq3A_328, %gather3A_329, %select_n3A_325 : vector<16xi1>, vector<16xf32>
        %eq3A_331 = arith.constant 5 : i32
        %eq3A_332 = vector.broadcast %eq3A_331 : i32 to vector<16xi32>
        %eq3A_333 = arith.cmpi eq, %iota3A, %eq3A_332 : vector<16xi32>
        %gather3A_334 = tpu.vector_load_idx %arg13[%broadcast_in_dim3A_302] : memref<1280xf32, #tpu.memory_space<vmem>>[vector<16xi32>], vector<16xf32>,
        %select_n3A_335 = arith.select %eq3A_333, %gather3A_334, %select_n3A_330 : vector<16xi1>, vector<16xf32>
        %eq3A_336 = arith.constant 6 : i32
        %eq3A_337 = vector.broadcast %eq3A_336 : i32 to vector<16xi32>
        %eq3A_338 = arith.cmpi eq, %iota3A, %eq3A_337 : vector<16xi32>
        %gather3A_339 = tpu.vector_load_idx %arg14[%broadcast_in_dim3A_302] : memref<1280xf32, #tpu.memory_space<vmem>>[vector<16xi32>], vector<16xf32>,
        %select_n3A_340 = arith.select %eq3A_338, %gather3A_339, %select_n3A_335 : vector<16xi1>, vector<16xf32>
        %swap3A_341 = arith.constant 0 : index
        %swap3A_342 = tpu.vector_load %arg17[%swap3A_341] {strides = array<i32>} : memref<16xf32, #tpu.memory_space<vmem>>, vector<16xf32>,
        tpu.vector_store %arg17[%swap3A_341], %select_n3A_340 {strides = array<i32>} : memref<16xf32, #tpu.memory_space<vmem>>, vector<16xf32>,
        %scan3A_343 = arith.constant 0 : i32
        scf.yield %scan3A_343 : i32
      }
      %scan3A_91 = arith.constant 150 : i32
      %eq3A_92 = arith.constant 0 : i32
      %eq3A_93 = arith.cmpi eq, %arg1, %eq3A_92 : i32
      %convert_element_type3A_94 = arith.extui %eq3A_93 : i1 to i32
      %cond3A_95 = arith.constant 0 : i32
      %cond3A_96 = arith.cmpi ne, %convert_element_type3A_94, %cond3A_95 : i32
      scf.if %cond3A_96 {
        tpu.enqueue_dma source(%arg18 : memref<304xi32, #tpu.memory_space<vmem>>) target(%arg7 : memref<304xi32, #tpu.memory_space<hbm>>) target_semaphore(%arg22 : memref<!tpu.dma_semaphore, #tpu.memory_space<semaphore_mem>>)
        tpu.wait_dma2 semaphore(%arg22 : memref<!tpu.dma_semaphore, #tpu.memory_space<semaphore_mem>>) src(%arg18 : memref<304xi32, #tpu.memory_space<vmem>>) dst(%arg7 : memref<304xi32, #tpu.memory_space<hbm>>)
      } else {
      }
    } else {
    }
    return
  }
}

</mosaic_0001>

<sc_bundles>
// kernel: kernel.3.cloned.1.call-start
scs
__scs_entry_jumppad:
0x0: {  	(pc) =	sbr.rel $0x88, $3  }
0x1: {  	(tag) =	ssettag $0x0;
	lr =	simm.s32 $0x1  }
0x2: {  	[smem:$0x3F9F] =	sst lr;
	_ =	strace $0xD0000000  }
0x3: {  	_ = 	snop  }
0x4: {  	_ = 	snop  }
0x5: {  	_ = 	snop  }
0x6: {  	_ = 	snop  }
0x7: {  	_ = 	snop  }
__scs_overlays_trampoline_lowered:
0x8: {  	[smem:$0x3FAE] =	sst s0  }
0x9: {  	[smem:$0x3FAF] =	sst s1  }
0xa: {  	[smem:$0x3FB0] =	sst s2  }
0xb: {  	[smem:$0x3FB1] =	sst s3  }
0xc: {  	[smem:$0x3FB2] =	sst s4  }
0xd: {  	[smem:$0x3FB3] =	sst s5  }
0xe: {  	[smem:$0x3FB4] =	sst s6  }
0xf: {  	[smem:$0x3FB5] =	sst s7  }
0x10: {  	[smem:$0x3FB6] =	sst s8  }
0x11: {  	[smem:$0x3FB7] =	sst s9;
	s0 =	simm.s32 @!p0 $0x0  }
0x12: {  	s1 =	sld [smem:$0x3F9D];
	s0 =	simm.s32 @p0 $0x1  }
0x13: {  	[smem:$0x3FB8] =	sst s0;
	s0 =	simm.s32 @!p1 $0x0  }
0x14: {  	s2 =	sld [smem:$0x3F9C];
	s0 =	simm.s32 @p1 $0x1  }
0x15: {  	[smem:$0x3FB9] =	sst s0;
	s0 =	simm.s32 @!p2 $0x0  }
0x16: {  	s3 =	sld [smem:$0x3FDB];
	s0 =	simm.s32 @p2 $0x1  }
0x17: {  	s4 =	simm.s32 $0x1BF5;
	[smem:$0x3FBB] =	sst s0  }
0x18: {  	s0 =	sld [smem:$0x3F9E];
	_ =	swait.ge [sflag:s4], $0x0  }
0x19: {  	s7 =	sld [smem:$0x3F9F]  }
0x1a: {  	s8 =	sadd.s32 $0xFFFFE003, lr  }
0x1b: {  	s9 =	sadd.s32 $0xFFFFFEF7, lr;
	s5 =	simm.s32 $0xFFFFFFFF;
	p2 =	slt.u32 s8, $0xFFFFF086  }
0x1c: {  	p1 =	slt.u32 s9, $0xF7A;
	s5 =	simm.s32 @!p2 $0x0  }
0x1d: {  	s5 =	simm.s32 @p1 $0x1;
	p0 =	seq.s32 s7, s2  }
0x1e: {  	s7 =	smul.u32 @!p0 $0xF7A, s2;
	p2 =	seq.s32 @!p0 s5, $0x0  }
0x1f: {  	s9 =	smul.u32 $0xF7A, s1;
	s8 =	simm.s32 @!p0 $0x1BF5;
	p2 =	por !p2, p0  }
0x20: {  	[sflag:s8] =	ssyncset.s32 @!p0 $0xFFFFF086;
	s6 =	sadd.s32 @!p0 s3, s7;
	s7 =	simm.s32 @!p0 $0x108  }
0x21: {  	s3 =	sadd.s32 s3, s9;
	s6 =	sadd.s32 @!p0 $0x88, s6;
	s7 =	simm.s32 @p2 $0x1082  }
0x22: {  	[simem:s7], [sflag:s8] =	dma.local @!p0 [hbm:s6], $0xF7A  }
0x23: {  	s9 =	sor.u32 $0xD0000000, s2;
	s6 =	simm.s32 $0x108;
	_ =	swait.ge @!p0 [sflag:s8], $0x0  }
0x24: {  	s3 =	sadd.s32 $0x88, s3;
	s6 =	simm.s32 @!p1 $0x1082;
	[sflag:s4] =	ssyncset.s32 $0xFFFFF086  }
0x25: {  	[simem:s6], [sflag:s4] =	dma.local [hbm:s3], $0xF7A  }
0x26: {  	[smem:$0x3F9F] =	sst s1;
	(tag) =	ssettag s2;
	_ =	strace s9  }
0x27: {  	s1 =	sld [smem:$0x3FAF]  }
0x28: {  	s2 =	sld [smem:$0x3FB0]  }
0x29: {  	s4 =	sld [smem:$0x3FB2]  }
0x2a: {  	p0 =	seq.s32 s5, $0x0;
	s5 =	sld [smem:$0x3FB3]  }
0x2b: {  	s6 =	sld [smem:$0x3FB4]  }
0x2c: {  	s7 =	sld [smem:$0x3FB5]  }
0x2d: {  	s3 =	simm.s32 $0x108;
	s8 =	sld [smem:$0x3FB6]  }
0x2e: {  	s3 =	simm.s32 @!p0 $0x1082;
	s9 =	sld [smem:$0x3FB7]  }
0x2f: {  	lr =	sadd.s32 s0, s3;
	s0 =	sld [smem:$0x3FAE]  }
0x30: {  	s3 =	sld [smem:$0x3FB1]  }
0x31: {  	[smem:$0x3FBA] =	sst s10  }
0x32: {  	s10 =	sld [smem:$0x3FB8];
	_ =	sdelay $0x3  }
0x33: {  	p0 =	seq.s32 s10, $0x1;
	s10 =	sld [smem:$0x3FBA];
	_ =	sdelay $0x3  }
0x34: {  	[smem:$0x3FBA] =	sst s10  }
0x35: {  	s10 =	sld [smem:$0x3FB9];
	_ =	sdelay $0x3  }
0x36: {  	p1 =	seq.s32 s10, $0x1;
	s10 =	sld [smem:$0x3FBA];
	_ =	sdelay $0x3  }
0x37: {  	[smem:$0x3FBA] =	sst s10  }
0x38: {  	s10 =	sld [smem:$0x3FBB]  }
0x39: {  	_ = 	snop;
	(pc) =	sbr.ind lr, $3  }
0x3a: {  	_ = 	snop  }
0x3b: {  	_ = 	snop  }
0x3c: {  	p2 =	seq.s32 s10, $0x1;
	s10 =	sld [smem:$0x3FBA]  }
0x3d: {  	_ =	shalt  }
0x3e: {  	_ =	shalt  }
0x3f: {  	_ =	shalt  }
0x40: {  	_ =	shalt  }
0x41: {  	_ =	shalt  }
0x42: {  	_ =	shalt  }
0x43: {  	_ =	shalt  }
0x44: {  	_ =	shalt  }
0x45: {  	_ =	shalt  }
0x46: {  	_ =	shalt  }
0x47: {  	_ =	shalt  }
0x48: {  	_ =	shalt  }
0x49: {  	_ =	shalt  }
0x4a: {  	_ =	shalt  }
0x4b: {  	_ =	shalt  }
0x4c: {  	_ =	shalt  }
0x4d: {  	_ =	shalt  }
0x4e: {  	_ =	shalt  }
0x4f: {  	_ =	shalt  }
0x50: {  	_ =	shalt  }
0x51: {  	_ =	shalt  }
0x52: {  	_ =	shalt  }
0x53: {  	_ =	shalt  }
0x54: {  	_ =	shalt  }
0x55: {  	_ =	shalt  }
0x56: {  	_ =	shalt  }
0x57: {  	_ =	shalt  }
0x58: {  	_ =	shalt  }
0x59: {  	_ =	shalt  }
0x5a: {  	_ =	shalt  }
0x5b: {  	_ =	shalt  }
0x5c: {  	_ =	shalt  }
0x5d: {  	_ =	shalt  }
0x5e: {  	_ =	shalt  }
0x5f: {  	_ =	shalt  }
0x60: {  	_ =	shalt  }
0x61: {  	_ =	shalt  }
0x62: {  	_ =	shalt  }
0x63: {  	_ =	shalt  }
0x64: {  	_ =	shalt  }
0x65: {  	_ =	shalt  }
0x66: {  	_ =	shalt  }
0x67: {  	_ =	shalt  }
0x68: {  	_ =	shalt  }
0x69: {  	_ =	shalt  }
0x6a: {  	_ =	shalt  }
0x6b: {  	_ =	shalt  }
0x6c: {  	_ =	shalt  }
0x6d: {  	_ =	shalt  }
0x6e: {  	_ =	shalt  }
0x6f: {  	_ =	shalt  }
0x70: {  	_ =	shalt  }
0x71: {  	_ =	shalt  }
0x72: {  	_ =	shalt  }
0x73: {  	_ =	shalt  }
0x74: {  	_ =	shalt  }
0x75: {  	_ =	shalt  }
0x76: {  	_ =	shalt  }
0x77: {  	_ =	shalt  }
0x78: {  	_ =	shalt  }
0x79: {  	_ =	shalt  }
0x7a: {  	_ =	shalt  }
0x7b: {  	_ =	shalt  }
0x7c: {  	_ =	shalt  }
0x7d: {  	_ =	shalt  }
0x7e: {  	_ =	shalt  }
0x7f: {  	_ =	shalt  }
0x80: {  	_ =	shalt  }
0x81: {  	_ =	shalt  }
0x82: {  	_ =	shalt  }
0x83: {  	_ =	shalt  }
0x84: {  	_ =	shalt  }
0x85: {  	_ =	shalt  }
0x86: {  	_ =	shalt  }
0x87: {  	_ =	shalt  }
.Lfunc_end0:
.L_simem_size_0:
called_computation_lowered:
.L_overlay_start_0:
0x88: {  	s2 =	sld [smem:$0x3FD9]  }
0x89: {  	s3 =	sld [smem:$0x3FFE];
	_ =	sdelay $0x1  }
0x8a: {  	s1 =	srdreg.scid  }
0x8b: {  	s0 =	sand.u32 $0x1, s1  }
0x8c: {  	s17 =	sshll.u32 s0, $0xA;
	s2 =	sadd.s32 s3, s2  }
0x8d: {  	s2 =	sadd.s32 s2, s17  }
0x8e: {  	[smem:$0x3FC6] =	sst s2  }
0x8f: {  	_ = 	snop  }
0x90: {  	s2 =	sld [smem:$0x3FD0];
	(tm) =	ssettm $0x1  }
0x91: {  	s18 =	sld [smem:$0x3FFB];
	_ =	sdelay $0x3  }
0x92: {  	_ =	strace s18  }
0x93: {  	s3 =	sld [smem:$0x3FFC];
	_ =	sdelay $0x3  }
0x94: {  	_ =	strace s3  }
0x95: {  	s3 =	sld [smem:$0x3FFD];
	_ =	sdelay $0x3  }
0x96: {  	_ =	strace s3  }
0x97: {  	_ =	strace $0x8FFFFFFF  }
0x98: {  	s19 =	sld [smem:$0x3FDB];
	_ =	sdelay $0x1  }
0x99: {  	s4 =	simm.s32 $_scs_section_size  }
0x9a: {  	s5 =	simm.s32 $_size__tile_overlayer_lowered;
	s6 =	simm.s32 $_tile_overlayer_lowered  }
0x9b: {  	s22 =	simm.s32 $0x1BFF;
	s21 =	sshll.u32 s6, $0x1;
	s3 =	sadd.s32 s4, s19  }
0x9c: {  	s7 =	simm.s32 $0x0;
	s20 =	sshll.u32 s5, $0x1;
	s5 =	sadd.s32 s21, s3  }
0x9d: {  	[timem:s7], [sflag:s22] =	dma.local [hbm:s5], s20  }
0x9e: {  	_ =	swait.ge [sflag:s22], s20  }
0x9f: {  	s4 =	ssub.s32 $0x0, s20;
	[sflag:s22] =	ssyncset.done $0x0  }
0xa0: {  	[sflag:s22] =	ssyncadd.s32 s4;
	_ =	sdelay $0x1  }
0xa1: {  	s23 =	simm.s32 $0x1B8B  }
0xa2: {  	_ =	swait.ge [sflag:s23], $0x1  }
0xa3: {  	[sflag:s23] =	ssyncset.done $0x0  }
0xa4: {  	s25 =	simm.s32 $0x1B8E;
	s24 =	sld [smem:$0x3FFE];
	[sflag:s23] =	ssyncadd.s32 $0xFFFFFFFF  }
0xa5: {  	s26 =	simm.s32 $execute0_lowered;
	[smem:$0x3FD2] =	sst s25  }
0xa6: {  	s5 =	sshll.u32 s26, $0x1;
	_ =	strace $0x80000046;
	[dreg:$0x1] =	wrdreg $0xFFFFFFFF  }
0xa7: {  	s28 =	simm.s32 $_size_execute0_lowered;
	s3 =	sadd.s32 s3, s5;
	[dreg:$0x0] =	wrdreg $0x0  }
0xa8: {  	s5 =	sshll.u32 s28, $0x1;
	[dreg:$0x2] =	wrdreg s3  }
0xa9: {  	[dreg:$0x3] =	wrdreg s5  }
0xaa: {  	[dreg:$0x4] =	wrdreg $0xC0  }
0xab: {  	_ =	task [dreg:s7], $0x5FFFF  }
0xac: {  	[dreg:$0x1] =	wrdreg $0xFFFFFFFF  }
0xad: {  	[dreg:$0x0] =	wrdreg $0x60  }
0xae: {  	[dreg:$0x2] =	wrdreg s24  }
0xaf: {  	[dreg:$0x3] =	wrdreg s2  }
0xb0: {  	[dreg:$0x4] =	wrdreg $0x9  }
0xb1: {  	_ =	task.clear_ibuf [dreg:s7], $0x5FFFF;
	_ =	strace $0x90000046  }
0xb2: {  	s29 =	simm.s32 $0x9;
	_ =	strace $0x80000048  }
0xb3: {  	_ =	swait.ge [sflag:s29], $0x1  }
0xb4: {  	[sflag:s29] =	ssyncadd.s32 $0xFFFFFFFF  }
0xb5: {  	_ =	strace $0x90000048  }
0xb6: {  	_ =	sfence  }
0xb7: {  	s30 =	sld [smem:$0x0];
	_ =	sdelay $0x2  }
0xb8: {  	s31 =	sshll.u32 s1, $0xD;
	s1 =	sshrl.u32 s1, $0x2  }
0xb9: {  	s3 =	sand.u32 $0x4000, s31;
	s1 =	sadd.s32 s1, s30  }
0xba: {  	s0 =	sor.u32 s3, s0;
	s1 =	sshll.u32 s1, $0x11  }
0xbb: {  	s0 =	sor.u32 s1, s0  }
0xbc: {  	s0 =	sadd.s32 $0x8F2B, s0  }
0xbd: {  	[sflag:s0] =	ssyncadd.remote.s32 $0x1  }
0xbe: {  	_ =	sfence.sel $0xFFFF  }
0xbf: {  	[dreg:$0x0] =	wrdreg $0xFFFFFFFF;
	(pc) =	sbr.abs _section_cstart, $3  }
0xc0: {  	[dreg:$0x1] =	wrdreg $0xFFFFFFFF  }
0xc1: {  	_ =	task.clear_ibuf [dreg:s7], $0x2FFFF;
	_ =	strace $0x9FFFFFFF  }
0xc2: {  	(tm) =	ssettm $0x7FFFFFFF  }
0xc3: {  	_ =	shalt  }
tec
execute0_lowered:
.L_overlay_start_1:
0x0: {  	(tag) =	ssettag $0x1  }
0x1: {  	s1 =	srdreg.scid  }
0x2: {  	s1 =	sand.u32 $0x1, s1  }
0x3: {  	p0 =	seq.s32 s1, $0x1  }
.Ltmp0:
0x4: {  	_ = 	snop;
	(pc) =	sbr.rel @p0 .LBB2_10-.Ltmp0, $4  }
0x5: {  	s5 =	rddreg [dreg:$0x0]  }
0x6: {  	s2 =	rddreg [dreg:$0x1];
	s8 =	simm.s32 $0x0  }
0x7: {  	[smem:$0x7FF] =	sst s8  }
0x8: {  	s0 =	rddreg [dreg:$0x2];
	_ =	strace $0x80000047;
	s1 =	stileid.u32  }
0x9: {  	s3 =	smul.u32 $0x500, s1;
	_ =	sdelay $0x1  }
0xa: {  	s4 =	sshrl.u32 s3, $0x3  }
0xb: {  	s26 =	simm.s32 $0x1;
	s6 =	sadd.s32 s5, s4  }
0xc: {  	[tilespmem:s8], [sflag:$0x1] =	stream.linear.gather [hbm4b:s6+s8], $0x500, $0x38;
	[tilespmem:$0x2800] =	vst v63  }
0xd: {  	_ =	swait.ge [sflag:s26], $0x500  }
0xe: {  	s7 =	sadd.s32 $0x1400, s5;
	[sflag:s26] =	ssyncset.done $0x0  }
0xf: {  	s11 =	simm.s32 $0x500;
	s7 =	sadd.s32 s7, s4;
	[sflag:s26] =	ssyncadd.s32 $0xFFFFFB00  }
0x10: {  	[tilespmem:s11], [sflag:$0x1] =	stream.linear.gather [hbm4b:s7+s8], $0x500, $0x38;
	[tilespmem:$0x2800] =	vst v63  }
0x11: {  	_ =	swait.ge [sflag:s26], $0x500  }
0x12: {  	s28 =	sadd.s32 $0xA00, s5;
	[sflag:s26] =	ssyncset.done $0x0  }
0x13: {  	s9 =	simm.s32 $0xA00;
	s7 =	sadd.s32 s28, s4;
	[sflag:s26] =	ssyncadd.s32 $0xFFFFFB00  }
0x14: {  	[tilespmem:s9], [sflag:$0x1] =	stream.linear.gather [hbm4b:s7+s8], $0x500, $0x38;
	[tilespmem:$0x2800] =	vst v63  }
0x15: {  	_ =	swait.ge [sflag:s26], $0x500  }
0x16: {  	s29 =	sadd.s32 $0x1E00, s5;
	[sflag:s26] =	ssyncset.done $0x0  }
0x17: {  	s10 =	simm.s32 $0xF00;
	s7 =	sadd.s32 s29, s4;
	[sflag:s26] =	ssyncadd.s32 $0xFFFFFB00  }
0x18: {  	[tilespmem:s10], [sflag:$0x1] =	stream.linear.gather [hbm4b:s7+s8], $0x500, $0x38;
	[tilespmem:$0x2800] =	vst v63  }
0x19: {  	_ =	swait.ge [sflag:s26], $0x500  }
0x1a: {  	s30 =	sadd.s32 $0x2800, s5;
	[sflag:s26] =	ssyncset.done $0x0  }
0x1b: {  	s14 =	simm.s32 $0x1900;
	s4 =	sadd.s32 s30, s4;
	[sflag:s26] =	ssyncadd.s32 $0xFFFFFB00  }
0x1c: {  	[tilespmem:s14], [sflag:$0x1] =	stream.linear.gather [hbm4b:s4+s8], $0x500, $0x38;
	[tilespmem:$0x2800] =	vst v63  }
0x1d: {  	_ =	swait.ge [sflag:s26], $0x500  }
0x1e: {  	[sflag:s26] =	ssyncset.done $0x0  }
0x1f: {  	[sflag:s26] =	ssyncadd.s32 $0xFFFFFB00  }
0x20: {  	v0 =	vld [tilespmem:s11+$0x0]  }
0x21: {  	v1 =	vld [tilespmem:s8+$0x0];
	_ =	sdelay $0x4  }
0x22: {  	v2 =	vmin.f32 v1, v0  }
0x23: {  	v0 =	vmax.f32 v1, v0;
	[tilespmem:s8+$0x0] =	vst v2  }
0x24: {  	[tilespmem:s11+$0x0] =	vst v0  }
0x25: {  	v1 =	vld [tilespmem:s9+$0x0]  }
0x26: {  	v3 =	vld [tilespmem:s10+$0x0];
	_ =	sdelay $0x4  }
0x27: {  	v4 =	vmin.f32 v1, v3;
	v1 =	vmax.f32 v1, v3  }
0x28: {  	v0 =	vsub.f32 v0, v2;
	v2 =	vsub.f32 v1, v4;
	_ =	sdelay $0x1  }
0x29: {  	[tilespmem:s9+$0x0] =	vst v4;
	v0 =	vmul.f32 v2, v0  }
0x2a: {  	s11 =	simm.s32 $0x1400;
	[tilespmem:s10+$0x0] =	vst v1  }
0x2b: {  	s13 =	simm.s32 $0x510;
	[tilespmem:s11+$0x0] =	vst v0  }
0x2c: {  	s15 =	simm.s32 $0x10;
	v3 =	vld [tilespmem:s13+$0x0]  }
0x2d: {  	v4 =	vld [tilespmem:s15+$0x0]  }
0x2e: {  	s31 =	sshll.u32 s1, $0x4;
	s12 =	simm.s32 $0x1;
	v2 =	vld [tilespmem:s14+$0x0]  }
0x2f: {  	s16 =	simm.s32 $0x2;
	s4 =	sadd.s32 $0x3200, s5;
	s5 =	sadd.s32 $0x3400, s5  }
0x30: {  	s6 =	sadd.s32 s4, s31;
	s7 =	sadd.s32 s5, s31;
	v1 =	vimm.f32 $-Inf;
	v0 =	vimm.s32 $0x0;
	s14 =	simm.s32 $0x1910  }
.LBB2_2:
0x31: {  	s9 =	sadd.s32 $0x10, s9;
	s10 =	sadd.s32 $0x10, s10;
	s11 =	sadd.s32 $0x10, s11  }
0x32: {  	p0 =	sne.s32 s16, $0x4F;
	s17 =	smov.u32 s16;
	s16 =	sadd.s32 $0x1, s16;
	v5 =	vmin.f32 v4, v3;
	v3 =	vmax.f32 v4, v3  }
0x33: {  	[tilespmem:s15+$0x0] =	vst v5;
	v4 =	vsub.f32 v3, v5;
	vm0 =	vgt.f32 v2, v1  }
0x34: {  	[tilespmem:s13+$0x0] =	vst v3;
	v1 =	vsel vm0, v2, v1;
	v0 =	vsel vm0, s8, v0;
	s8 =	smov.u32 s12;
	s12 =	smov.u32 s17  }
0x35: {  	v2 =	vld [tilespmem:s9+$0x0]  }
0x36: {  	v3 =	vld [tilespmem:s10+$0x0];
	_ =	sdelay $0x4  }
0x37: {  	v5 =	vmin.f32 v2, v3;
	v2 =	vmax.f32 v2, v3  }
0x38: {  	[tilespmem:s9+$0x0] =	vst v5;
	v3 =	vsub.f32 v2, v5  }
0x39: {  	[tilespmem:s10+$0x0] =	vst v2  }
0x3a: {  	v2 =	vmul.f32 v3, v4;
	_ =	sdelay $0x1  }
0x3b: {  	s15 =	sadd.s32 $0x10, s15;
	s13 =	sadd.s32 $0x10, s13;
	[tilespmem:s11+$0x0] =	vst v2  }
.Ltmp1:
0x3c: {  	v3 =	vld [tilespmem:s13+$0x0];
	(pc) =	sbr.rel @p0 .LBB2_2-.Ltmp1, $3  }
0x3d: {  	v4 =	vld [tilespmem:s15+$0x0]  }
0x3e: {  	v2 =	vld [tilespmem:s14+$0x0];
	_ =	sdelay $0x1  }
0x3f: {  	s14 =	sadd.s32 $0x10, s14  }
0x40: {  	_ = 	snop  }
0x41: {  	v5 =	vmin.f32 v4, v3  }
0x42: {  	v3 =	vmax.f32 v4, v3;
	[tilespmem:s15+$0x0] =	vst v5  }
0x43: {  	s9 =	sadd.s32 $0x10, s9;
	[tilespmem:s13+$0x0] =	vst v3  }
0x44: {  	s10 =	sadd.s32 $0x10, s10;
	v59 =	vld [tilespmem:s9+$0x0]  }
0x45: {  	v6 =	vld [tilespmem:s10+$0x0];
	_ =	sdelay $0x4  }
0x46: {  	v7 =	vmin.f32 v59, v6;
	v4 =	vmax.f32 v59, v6  }
0x47: {  	v3 =	vsub.f32 v3, v5;
	v60 =	vsub.f32 v4, v7;
	_ =	sdelay $0x1  }
0x48: {  	[tilespmem:s9+$0x0] =	vst v7;
	v3 =	vmul.f32 v60, v3  }
0x49: {  	s26 =	sadd.s32 $0x10, s11;
	[tilespmem:s10+$0x0] =	vst v4  }
0x4a: {  	[tilespmem:s26+$0x0] =	vst v3  }
0x4b: {  	v3 =	vld [tilespmem:s14+$0x0];
	_ =	sdelay $0x2  }
0x4c: {  	vm0 =	vgt.f32 v2, v1  }
0x4d: {  	v1 =	vsel vm0, v2, v1  }
0x4e: {  	vm1 =	vgt.f32 v3, v1  }
0x4f: {  	v2 =	vsel vm1, v3, v1  }
0x50: {  	(xrf0) =	vmax.scan.msk.f32 $0xffff, v2;
	_ =	sdelay $0x5  }
0x51: {  	v0 =	vsel vm0, s8, v0;
	v1, _, _ =	vpop (xrf0)  }
0x52: {  	v3 =	vsel vm1, s12, v0;
	v0 =	vlaneseq.u32;
	v61 =	vbroadcast v1, $0xF  }
0x53: {  	v3 =	vshll.u32 v3, $0x4;
	v1 =	vor.u32 $0x80000000, v0  }
0x54: {  	vm0 =	veq.f32 v2, v61;
	v2 =	vxor.u32 v1, v3  }
0x55: {  	v2 =	vnsel vm0, $0xC0000000, v2  }
0x56: {  	(xrf0) =	vmin.scan.msk.u32 $0xffff, v2;
	_ =	sdelay $0x5  }
0x57: {  	v2, _, _ =	vpop (xrf0)  }
0x58: {  	(v2sf) =	vpush v2, $0xF;
	_ =	sdelay $0xe  }
0x59: {  	s28 =	spop (v2sf)  }
0x5a: {  	s29 =	sxor.u32 $0x80000000, s28  }
0x5b: {  	v2 =	vmov s29;
	_ =	sdelay $0x3  }
0x5c: {  	s8 =	simm.s32 $0x0  }
0x5d: {  	s9 =	simm.s32 $0x500;
	v3 =	vld.idx.msk [tilespmem:v2+s8+$0x0], $0xffff  }
0x5e: {  	s10 =	simm.s32 $0xA00;
	s30 =	sadd.s32 s3, s29;
	v62 =	vld.idx.msk [tilespmem:v2+s9+$0x0], $0xffff  }
0x5f: {  	s11 =	simm.s32 $0xF00;
	vm0 =	vmmov $0x1;
	s31 =	scvt.s32.f32 s30;
	v63 =	vld.idx.msk [tilespmem:v2+s10+$0x0], $0xffff  }
0x60: {  	s12 =	simm.s32 $0x1400;
	vm1 =	veq.s32 v0, $0x1;
	v4 =	vnsel vm0, $0x0, v61;
	v7 =	vld.idx.msk [tilespmem:v2+s11+$0x0], $0xffff  }
0x61: {  	v4 =	vsel vm1, s31, v4;
	vm1 =	vcmask $0x71C;
	v2 =	vld.idx.msk [tilespmem:v2+s12+$0x0], $0xffff  }
0x62: {  	vm2 =	vcmask $0xB1C;
	v3 =	vsel vm1, v4, v3  }
0x63: {  	vm3 =	vcmask $0xF1C;
	v3 =	vsel vm2, v3, v62  }
0x64: {  	vm4 =	vcmask $0x131C;
	v3 =	vsel vm3, v3, v63  }
0x65: {  	vm5 =	vcmask $0x171C;
	v3 =	vsel vm4, v3, v7  }
0x66: {  	p0 =	sne.s32 s1, $0x0;
	s16 =	simm.s32 $0x3;
	s17 =	simm.s32 $0x0;
	v2 =	vsel vm5, v3, v2  }
0x67: {  	s15 =	simm.s32 $0x1E00;
	s13 =	simm.s32 $0x2600;
	s14 =	simm.s32 $0x2;
	[tilespmem:$0x2600] =	vst v2;
	v2 =	vmul.u32 $0x80, v0  }
.LBB2_4:
0x68: {  	[hbm4b:s6+s8] =	stream.linear.scatter [tilespmem:s13], [sflag:$0x2], $0x80, $0x38;
	[tilespmem:$0x2800] =	vst v63  }
0x69: {  	_ =	swait.ge [sflag:s14], $0x80  }
0x6a: {  	[sflag:s14] =	ssyncset.done $0x0  }
0x6b: {  	[sflag:s14] =	ssyncadd.s32 $0xFFFFFF80  }
0x6c: {  	[bflag:$0x0] =	sbarrier.arrive $0xFFFF  }
0x6d: {  	[tilespmem:s15], [sflag:$0x3] =	stream.linear.gather [hbm4b:s4+s8], $0x800, $0x38;
	[tilespmem:$0x2800] =	vst v63  }
0x6e: {  	_ =	swait.ge [sflag:s16], $0x800  }
0x6f: {  	[sflag:s16] =	ssyncset.done $0x0  }
0x70: {  	[sflag:s16] =	ssyncadd.s32 $0xFFFFF800  }
0x71: {  	v3 =	vld.idx.msk [tilespmem:v2+s15+$0x0], $0xffff;
	_ =	sdelay $0x4  }
0x72: {  	(xrf0) =	vmax.scan.msk.f32 $0xffff, v3;
	_ =	sdelay $0x5  }
0x73: {  	v4, _, _ =	vpop (xrf0)  }
0x74: {  	v5 =	vbroadcast v4, $0xF  }
0x75: {  	(v2sf) =	vpush @!p0 v4, $0xF  }
0x76: {  	vm6 =	veq.f32 v3, v5  }
0x77: {  	v3 =	vmctz.xlane vm6;
	_ =	sdelay $0x1  }
0x78: {  	v3 =	vshll.u32 v3, $0x7  }
0x79: {  	v4 =	vor.u32 $0x1, v3;
	_ =	sdelay $0x4  }
0x7a: {  	v4 =	vld.idx.msk [tilespmem:v4+s15+$0x0], $0xffff  }
0x7b: {  	s18 =	sshll.u32 s17, $0x1;
	v5 =	vor.u32 $0x2, v3  }
0x7c: {  	v7 =	vmov @!p0 s18;
	v8 =	vor.u32 $0x4, v3  }
0x7d: {  	v7 =	vand.u32 @!p0 $0xFFFFFFFE, v7;
	v10 =	vor.u32 $0x5, v3  }
0x7e: {  	v11 =	vbroadcast @!p0 v7, $0x0;
	v6 =	vor.u32 $0x3, v3  }
0x7f: {  	v3 =	vor.u32 $0x6, v3;
	s19 =	spop @!p0 (v2sf);
	v4 =	vtrunc.f32 v4  }
0x80: {  	v5 =	vld.idx.msk [tilespmem:v5+s15+$0x0], $0xffff;
	p1 =	sgt.f32 @!p0 s19, $-Inf;
	v4 =	vcvt.f32.s32 v4  }
0x81: {  	v9 =	vld.idx.msk [tilespmem:v8+s15+$0x0], $0xffff  }
0x82: {  	v8 =	vld.idx.msk [tilespmem:v10+s15+$0x0], $0xffff;
	p1 =	por !p1, p0;
	v10 =	vmov v4  }
0x83: {  	v7 =	vld.idx.msk [tilespmem:v6+s15+$0x0], $0xffff;
	s19 =	simm.s32 @!p0 $0x2680;
	v10 =	vpsel p1, $0xFFFFFFFF, v10  }
0x84: {  	v6 =	vld.idx.msk [tilespmem:v3+s15+$0x0], $0xffff;
	[tilespmem:v11+s19+$0x0] =	vst.idx.msk @!p0 $0x1, v10  }
0x85: {  	v3 =	vld [tilespmem:s8+$0x0]  }
0x86: {  	v10 =	vld [tilespmem:s9+$0x0]  }
0x87: {  	v11 =	vld [tilespmem:s10+$0x0]  }
0x88: {  	v12 =	vld [tilespmem:s11+$0x0];
	_ =	sdelay $0x3  }
0x89: {  	v13 =	vld [tilespmem:s12+$0x0];
	v3 =	vmax.f32 v3, v5  }
0x8a: {  	v11 =	vmax.f32 v11, v9;
	v10 =	vmin.f32 v10, v7;
	v12 =	vmin.f32 v12, v8  }
0x8b: {  	v3 =	vsub.f32 v10, v3;
	v10 =	vsub.f32 v12, v11;
	_ =	sdelay $0x1  }
0x8c: {  	v3 =	vmax.f32 v3, $0.0e+00;
	v10 =	vmax.f32 v10, $0.0e+00  }
0x8d: {  	v3 =	vmul.f32 v10, v3;
	v10 =	vadd.f32 v13, v6;
	_ =	sdelay $0x1  }
0x8e: {  	v10 =	vsub.f32 v10, v3;
	_ =	sdelay $0x1  }
0x8f: {  	(erf) = vrcp.f32 v10;
	_ =	sdelay $0x8  }
0x90: {  	s19 =	simm.s32 $0x1900;
	v10 =	vpop (erf)  }
0x91: {  	vm6 =	vle.f32 v6, $0.0e+00;
	vm7 =	vle.f32 v13, $0.0e+00;
	v11 =	vld [tilespmem:s19+$0x0];
	v10 =	vmul.f32 v10, v3  }
0x92: {  	vm6 =	vmneg vm6;
	vm7 =	vmneg vm7  }
0x93: {  	vm7 =	vmand vm6, vm7;
	v3 =	vor.u32 s3, v0;
	vm8 =	vgt.f32 v10, $3.000000120e-01  }
0x94: {  	vm7 =	vmand vm7, vm8;
	vm8 =	veq.s32 v3, v4  }
0x95: {  	vm7 =	vmor vm8, vm7  }
0x96: {  	v10 =	vsel vm7, $0xFF800000, v11  }
0x97: {  	s22 =	simm.s32 $0x10;
	[tilespmem:s19+$0x0] =	vst v10  }
0x98: {  	s23 =	simm.s32 $0x510;
	v11 =	vimm.f32 $-Inf;
	v12 =	vld [tilespmem:s22+$0x0]  }
0x99: {  	v14 =	vimm.s32 $0x0;
	s20 =	simm.s32 $0x1;
	s24 =	simm.s32 $0xA10;
	s28 =	simm.s32 $0x2;
	vm7 =	vgt.f32 v10, v11;
	v13 =	vld [tilespmem:s23+$0x0]  }
0x9a: {  	s25 =	simm.s32 $0xF10;
	s26 =	simm.s32 $0x1400;
	s21 =	smov.u32 s3;
	v11 =	vsel vm7, v10, v11;
	v10 =	vsel vm7, s8, v14;
	v14 =	vld [tilespmem:s24+$0x0]  }
.LBB2_5:
0x9b: {  	p1 =	sne.s32 s28, $0x4F;
	v15 =	vld [tilespmem:s25+$0x0];
	_ =	sdelay $0x2  }
0x9c: {  	s26 =	sadd.s32 $0x10, s26  }
0x9d: {  	v12 =	vmax.f32 v12, v5;
	v16 =	vld [tilespmem:s26+$0x0]  }
0x9e: {  	v13 =	vmin.f32 v13, v7;
	v14 =	vmax.f32 v14, v9;
	v15 =	vmin.f32 v15, v8  }
0x9f: {  	v12 =	vsub.f32 v13, v12;
	v13 =	vsub.f32 v15, v14;
	_ =	sdelay $0x1  }
0xa0: {  	v12 =	vmax.f32 v12, $0.0e+00;
	v13 =	vmax.f32 v13, $0.0e+00  }
0xa1: {  	v12 =	vmul.f32 v13, v12;
	v13 =	vadd.f32 v16, v6;
	_ =	sdelay $0x1  }
0xa2: {  	v13 =	vsub.f32 v13, v12;
	_ =	sdelay $0x1  }
0xa3: {  	(erf) = vrcp.f32 v13;
	_ =	sdelay $0x8  }
0xa4: {  	s19 =	sadd.s32 $0x10, s19;
	v13 =	vpop (erf)  }
0xa5: {  	vm7 =	vle.f32 v16, $0.0e+00;
	v14 =	vld [tilespmem:s19+$0x0];
	v12 =	vmul.f32 v13, v12  }
0xa6: {  	s21 =	sadd.s32 $0x10, s21;
	vm7 =	vmneg vm7  }
0xa7: {  	vm7 =	vmand vm6, vm7;
	v13 =	vor.u32 s21, v0;
	vm8 =	vgt.f32 v12, $3.000000120e-01  }
0xa8: {  	vm7 =	vmand vm7, vm8;
	vm8 =	veq.s32 v13, v4  }
0xa9: {  	vm7 =	vmor vm8, vm7  }
.Ltmp2:
0xaa: {  	v13 =	vsel vm7, $0xFF800000, v14;
	(pc) =	sbr.rel @p1 .LBB2_5-.Ltmp2, $4  }
0xab: {  	s22 =	sadd.s32 $0x10, s22;
	[tilespmem:s19+$0x0] =	vst v13;
	vm7 =	vgt.f32 v13, v11  }
0xac: {  	s23 =	sadd.s32 $0x10, s23;
	v12 =	vld [tilespmem:s22+$0x0];
	v11 =	vsel vm7, v13, v11;
	v10 =	vsel vm7, s20, v10;
	s20 =	smov.u32 s28  }
0xad: {  	s24 =	sadd.s32 $0x10, s24;
	v13 =	vld [tilespmem:s23+$0x0]  }
0xae: {  	s25 =	sadd.s32 $0x10, s25;
	s28 =	sadd.s32 $0x1, s28;
	v14 =	vld [tilespmem:s24+$0x0]  }
0xaf: {  	v15 =	vld [tilespmem:s25+$0x0];
	_ =	sdelay $0x2  }
0xb0: {  	s22 =	sadd.s32 $0x10, s26  }
0xb1: {  	v16 =	vld [tilespmem:s22+$0x0];
	v5 =	vmax.f32 v12, v5  }
0xb2: {  	v7 =	vmin.f32 v13, v7;
	v9 =	vmax.f32 v14, v9;
	v8 =	vmin.f32 v15, v8  }
0xb3: {  	v5 =	vsub.f32 v7, v5;
	v7 =	vsub.f32 v8, v9;
	_ =	sdelay $0x1  }
0xb4: {  	v5 =	vmax.f32 v5, $0.0e+00;
	v7 =	vmax.f32 v7, $0.0e+00  }
0xb5: {  	v6 =	vadd.f32 v16, v6;
	v5 =	vmul.f32 v7, v5;
	_ =	sdelay $0x1  }
0xb6: {  	v6 =	vsub.f32 v6, v5;
	_ =	sdelay $0x1  }
0xb7: {  	(erf) = vrcp.f32 v6;
	_ =	sdelay $0x8  }
0xb8: {  	s19 =	sadd.s32 $0x10, s19;
	v6 =	vpop (erf)  }
0xb9: {  	vm7 =	vle.f32 v16, $0.0e+00;
	v7 =	vld [tilespmem:s19+$0x0];
	v5 =	vmul.f32 v6, v5  }
0xba: {  	s21 =	sadd.s32 $0x10, s21;
	vm7 =	vmneg vm7  }
0xbb: {  	vm6 =	vmand vm6, vm7;
	v6 =	vor.u32 s21, v0;
	vm7 =	vgt.f32 v5, $3.000000120e-01  }
0xbc: {  	vm6 =	vmand vm6, vm7;
	vm7 =	veq.s32 v6, v4  }
0xbd: {  	vm6 =	vmor vm7, vm6  }
0xbe: {  	v4 =	vsel vm6, $0xFF800000, v7  }
0xbf: {  	vm6 =	vgt.f32 v4, v11  }
0xc0: {  	v5 =	vsel vm6, v4, v11  }
0xc1: {  	(xrf0) =	vmax.scan.msk.f32 $0xffff, v5;
	_ =	sdelay $0x5  }
0xc2: {  	v6, _, _ =	vpop (xrf0)  }
0xc3: {  	v7 =	vsel vm6, s20, v10;
	v6 =	vbroadcast v6, $0xF  }
0xc4: {  	v7 =	vshll.u32 v7, $0x4  }
0xc5: {  	vm6 =	veq.f32 v5, v6;
	v5 =	vxor.u32 v1, v7  }
0xc6: {  	v5 =	vnsel vm6, $0xC0000000, v5  }
0xc7: {  	(xrf0) =	vmin.scan.msk.u32 $0xffff, v5;
	_ =	sdelay $0x5  }
0xc8: {  	v5, _, _ =	vpop (xrf0)  }
0xc9: {  	(v2sf) =	vpush v5, $0xF;
	_ =	sdelay $0xe  }
0xca: {  	s25 =	spop (v2sf)  }
0xcb: {  	s20 =	sxor.u32 $0x80000000, s25  }
0xcc: {  	v5 =	vmov s20;
	_ =	sdelay $0x3  }
0xcd: {  	[tilespmem:s19+$0x0] =	vst v4  }
0xce: {  	v4 =	vld.idx.msk [tilespmem:v5+s8+$0x0], $0xffff  }
0xcf: {  	s26 =	sadd.s32 s3, s20;
	v7 =	vld.idx.msk [tilespmem:v5+s9+$0x0], $0xffff  }
0xd0: {  	s19 =	scvt.s32.f32 s26;
	v8 =	vld.idx.msk [tilespmem:v5+s10+$0x0], $0xffff  }
0xd1: {  	v6 =	vnsel vm0, $0x0, v6;
	vm6 =	veq.s32 v0, $0x1;
	v9 =	vld.idx.msk [tilespmem:v5+s11+$0x0], $0xffff  }
0xd2: {  	v6 =	vsel vm6, s19, v6;
	v5 =	vld.idx.msk [tilespmem:v5+s12+$0x0], $0xffff  }
0xd3: {  	v4 =	vsel vm1, v6, v4  }
0xd4: {  	v4 =	vsel vm2, v4, v7  }
0xd5: {  	v4 =	vsel vm3, v4, v8  }
0xd6: {  	v4 =	vsel vm4, v4, v9  }
0xd7: {  	v4 =	vsel vm5, v4, v5  }
0xd8: {  	[tilespmem:$0x2600] =	vst v4  }
0xd9: {  	[hbm4b:s7+s8] =	stream.linear.scatter [tilespmem:s13], [sflag:$0x2], $0x80, $0x38;
	[tilespmem:$0x2800] =	vst v63  }
0xda: {  	_ =	swait.ge [sflag:s14], $0x80  }
0xdb: {  	[sflag:s14] =	ssyncset.done $0x0  }
0xdc: {  	[sflag:s14] =	ssyncadd.s32 $0xFFFFFF80  }
0xdd: {  	[bflag:$0x0] =	sbarrier.arrive $0xFFFF  }
0xde: {  	[tilespmem:s15], [sflag:$0x3] =	stream.linear.gather [hbm4b:s5+s8], $0x800, $0x38;
	[tilespmem:$0x2800] =	vst v63  }
0xdf: {  	_ =	swait.ge [sflag:s16], $0x800  }
0xe0: {  	[sflag:s16] =	ssyncset.done $0x0  }
0xe1: {  	[sflag:s16] =	ssyncadd.s32 $0xFFFFF800  }
0xe2: {  	v4 =	vld.idx.msk [tilespmem:v2+s15+$0x0], $0xffff;
	_ =	sdelay $0x4  }
0xe3: {  	(xrf0) =	vmax.scan.msk.f32 $0xffff, v4;
	_ =	sdelay $0x5  }
0xe4: {  	v5, _, _ =	vpop (xrf0)  }
0xe5: {  	v6 =	vbroadcast v5, $0xF  }
0xe6: {  	(v2sf) =	vpush @!p0 v5, $0xF  }
0xe7: {  	vm6 =	veq.f32 v4, v6  }
0xe8: {  	v4 =	vmctz.xlane vm6;
	_ =	sdelay $0x1  }
0xe9: {  	v4 =	vshll.u32 v4, $0x7  }
0xea: {  	v5 =	vor.u32 $0x1, v4;
	_ =	sdelay $0x4  }
0xeb: {  	v5 =	vld.idx.msk [tilespmem:v5+s15+$0x0], $0xffff  }
0xec: {  	v7 =	vor.u32 $0x3, v4  }
0xed: {  	v8 =	vor.u32 $0x4, v4  }
0xee: {  	v10 =	vor.u32 $0x5, v4  }
0xef: {  	s18 =	sor.u32 @!p0 $0x1, s18;
	v6 =	vor.u32 $0x2, v4  }
0xf0: {  	v12 =	vmov @!p0 s18;
	v11 =	vor.u32 $0x6, v4;
	s19 =	spop @!p0 (v2sf);
	v4 =	vtrunc.f32 v5  }
0xf1: {  	v7 =	vld.idx.msk [tilespmem:v7+s15+$0x0], $0xffff;
	p1 =	sgt.f32 @!p0 s19, $-Inf;
	v4 =	vcvt.f32.s32 v4  }
0xf2: {  	v9 =	vld.idx.msk [tilespmem:v8+s15+$0x0], $0xffff  }
0xf3: {  	v8 =	vld.idx.msk [tilespmem:v10+s15+$0x0], $0xffff;
	p1 =	por !p1, p0;
	v10 =	vmov v4  }
0xf4: {  	s18 =	simm.s32 @!p0 $0x2680;
	v5 =	vld.idx.msk [tilespmem:v6+s15+$0x0], $0xffff;
	v10 =	vpsel p1, $0xFFFFFFFF, v10  }
0xf5: {  	s28 =	simm.s32 $0x0;
	v6 =	vld.idx.msk [tilespmem:v11+s15+$0x0], $0xffff;
	[tilespmem:v12+s18+$0x0] =	vst.idx.msk @!p0 $0x1, v10  }
0xf6: {  	s29 =	simm.s32 $0x500;
	v10 =	vld [tilespmem:s28+$0x0]  }
0xf7: {  	s30 =	simm.s32 $0xA00;
	v11 =	vld [tilespmem:s29+$0x0]  }
0xf8: {  	s31 =	simm.s32 $0xF00;
	v12 =	vld [tilespmem:s30+$0x0]  }
0xf9: {  	v13 =	vld [tilespmem:s31+$0x0];
	_ =	sdelay $0x2  }
0xfa: {  	s19 =	simm.s32 $0x1400  }
0xfb: {  	v14 =	vld [tilespmem:s19+$0x0];
	v10 =	vmax.f32 v10, v5  }
0xfc: {  	v12 =	vmax.f32 v12, v9;
	v11 =	vmin.f32 v11, v7;
	v13 =	vmin.f32 v13, v8  }
0xfd: {  	v10 =	vsub.f32 v11, v10;
	v11 =	vsub.f32 v13, v12;
	_ =	sdelay $0x1  }
0xfe: {  	v10 =	vmax.f32 v10, $0.0e+00;
	v11 =	vmax.f32 v11, $0.0e+00  }
0xff: {  	v10 =	vmul.f32 v11, v10;
	v11 =	vadd.f32 v14, v6;
	_ =	sdelay $0x1  }
0x100: {  	v11 =	vsub.f32 v11, v10;
	_ =	sdelay $0x1  }
0x101: {  	(erf) = vrcp.f32 v11;
	_ =	sdelay $0x8  }
0x102: {  	s18 =	simm.s32 $0x1900;
	v11 =	vpop (erf)  }
0x103: {  	vm6 =	vle.f32 v6, $0.0e+00;
	vm7 =	vle.f32 v14, $0.0e+00;
	v12 =	vld [tilespmem:s18+$0x0];
	v10 =	vmul.f32 v11, v10  }
0x104: {  	vm6 =	vmneg vm6;
	vm7 =	vmneg vm7  }
0x105: {  	vm7 =	vmand vm6, vm7;
	vm8 =	vgt.f32 v10, $3.000000120e-01  }
0x106: {  	vm7 =	vmand vm7, vm8;
	vm8 =	veq.s32 v3, v4  }
0x107: {  	vm7 =	vmor vm8, vm7  }
0x108: {  	v3 =	vsel vm7, $0xFF800000, v12  }
0x109: {  	s22 =	simm.s32 $0x10;
	[tilespmem:s18+$0x0] =	vst v3  }
0x10a: {  	s23 =	simm.s32 $0x510;
	v10 =	vimm.f32 $-Inf;
	v11 =	vld [tilespmem:s22+$0x0]  }
0x10b: {  	s24 =	simm.s32 $0xA10;
	s21 =	smov.u32 s3;
	v13 =	vimm.s32 $0x0;
	vm7 =	vgt.f32 v3, v10;
	v12 =	vld [tilespmem:s23+$0x0]  }
0x10c: {  	s25 =	simm.s32 $0xF10;
	s20 =	simm.s32 $0x1;
	s26 =	simm.s32 $0x2;
	v10 =	vsel vm7, v3, v10;
	v3 =	vsel vm7, s28, v13;
	v13 =	vld [tilespmem:s24+$0x0]  }
.LBB2_7:
0x10d: {  	p1 =	sne.s32 s26, $0x4F;
	v14 =	vld [tilespmem:s25+$0x0];
	_ =	sdelay $0x2  }
0x10e: {  	s19 =	sadd.s32 $0x10, s19  }
0x10f: {  	v11 =	vmax.f32 v11, v5;
	v15 =	vld [tilespmem:s19+$0x0]  }
0x110: {  	v12 =	vmin.f32 v12, v7;
	v13 =	vmax.f32 v13, v9;
	v14 =	vmin.f32 v14, v8  }
0x111: {  	v11 =	vsub.f32 v12, v11;
	v12 =	vsub.f32 v14, v13;
	_ =	sdelay $0x1  }
0x112: {  	v11 =	vmax.f32 v11, $0.0e+00;
	v12 =	vmax.f32 v12, $0.0e+00  }
0x113: {  	v11 =	vmul.f32 v12, v11;
	v12 =	vadd.f32 v15, v6;
	_ =	sdelay $0x1  }
0x114: {  	v12 =	vsub.f32 v12, v11;
	_ =	sdelay $0x1  }
0x115: {  	(erf) = vrcp.f32 v12;
	_ =	sdelay $0x8  }
0x116: {  	s18 =	sadd.s32 $0x10, s18;
	v12 =	vpop (erf)  }
0x117: {  	vm7 =	vle.f32 v15, $0.0e+00;
	v13 =	vld [tilespmem:s18+$0x0];
	v11 =	vmul.f32 v12, v11  }
0x118: {  	s21 =	sadd.s32 $0x10, s21;
	vm7 =	vmneg vm7  }
0x119: {  	vm7 =	vmand vm6, vm7;
	v12 =	vor.u32 s21, v0;
	vm8 =	vgt.f32 v11, $3.000000120e-01  }
0x11a: {  	vm7 =	vmand vm7, vm8;
	vm8 =	veq.s32 v12, v4  }
0x11b: {  	vm7 =	vmor vm8, vm7  }
.Ltmp3:
0x11c: {  	v12 =	vsel vm7, $0xFF800000, v13;
	(pc) =	sbr.rel @p1 .LBB2_7-.Ltmp3, $4  }
0x11d: {  	s22 =	sadd.s32 $0x10, s22;
	[tilespmem:s18+$0x0] =	vst v12;
	vm7 =	vgt.f32 v12, v10  }
0x11e: {  	s23 =	sadd.s32 $0x10, s23;
	v11 =	vld [tilespmem:s22+$0x0];
	v10 =	vsel vm7, v12, v10;
	v3 =	vsel vm7, s20, v3;
	s20 =	smov.u32 s26  }
0x11f: {  	s24 =	sadd.s32 $0x10, s24;
	v12 =	vld [tilespmem:s23+$0x0]  }
0x120: {  	s25 =	sadd.s32 $0x10, s25;
	s26 =	sadd.s32 $0x1, s26;
	v13 =	vld [tilespmem:s24+$0x0]  }
0x121: {  	v14 =	vld [tilespmem:s25+$0x0];
	_ =	sdelay $0x2  }
0x122: {  	s19 =	sadd.s32 $0x10, s19  }
0x123: {  	v15 =	vld [tilespmem:s19+$0x0];
	v5 =	vmax.f32 v11, v5  }
0x124: {  	v7 =	vmin.f32 v12, v7;
	v9 =	vmax.f32 v13, v9;
	v8 =	vmin.f32 v14, v8  }
0x125: {  	v5 =	vsub.f32 v7, v5;
	v55 =	vsub.f32 v8, v9;
	_ =	sdelay $0x1  }
0x126: {  	v5 =	vmax.f32 v5, $0.0e+00;
	v7 =	vmax.f32 v55, $0.0e+00  }
0x127: {  	v6 =	vadd.f32 v15, v6;
	v5 =	vmul.f32 v7, v5;
	_ =	sdelay $0x1  }
0x128: {  	v6 =	vsub.f32 v6, v5;
	_ =	sdelay $0x1  }
0x129: {  	(erf) = vrcp.f32 v6;
	_ =	sdelay $0x8  }
0x12a: {  	s18 =	sadd.s32 $0x10, s18;
	v6 =	vpop (erf)  }
0x12b: {  	v56 =	vld [tilespmem:s18+$0x0];
	vm7 =	vle.f32 v15, $0.0e+00;
	v5 =	vmul.f32 v6, v5  }
0x12c: {  	s29 =	sadd.s32 $0x10, s21;
	vm7 =	vmneg vm7  }
0x12d: {  	v57 =	vor.u32 s29, v0;
	vm6 =	vmand vm6, vm7;
	vm7 =	vgt.f32 v5, $3.000000120e-01  }
0x12e: {  	vm6 =	vmand vm6, vm7;
	vm7 =	veq.s32 v57, v4  }
0x12f: {  	vm6 =	vmor vm7, vm6  }
0x130: {  	v58 =	vsel vm6, $0xFF800000, v56  }
0x131: {  	vm6 =	vgt.f32 v58, v10  }
0x132: {  	v59 =	vsel vm6, v58, v10  }
0x133: {  	(xrf0) =	vmax.scan.msk.f32 $0xffff, v59;
	_ =	sdelay $0x5  }
0x134: {  	v60, _, _ =	vpop (xrf0)  }
0x135: {  	v3 =	vsel vm6, s20, v3;
	v6 =	vbroadcast v60, $0xF  }
0x136: {  	v3 =	vshll.u32 v3, $0x4  }
0x137: {  	v3 =	vxor.u32 v1, v3;
	vm6 =	veq.f32 v59, v6  }
0x138: {  	v3 =	vnsel vm6, $0xC0000000, v3  }
0x139: {  	(xrf0) =	vmin.scan.msk.u32 $0xffff, v3;
	_ =	sdelay $0x5  }
0x13a: {  	v3, _, _ =	vpop (xrf0)  }
0x13b: {  	(v2sf) =	vpush v3, $0xF;
	_ =	sdelay $0xe  }
0x13c: {  	s30 =	spop (v2sf)  }
0x13d: {  	s19 =	sxor.u32 $0x80000000, s30  }
0x13e: {  	v3 =	vmov s19;
	_ =	sdelay $0x3  }
0x13f: {  	[tilespmem:s18+$0x0] =	vst v58  }
0x140: {  	v4 =	vld.idx.msk [tilespmem:v3+s8+$0x0], $0xffff  }
0x141: {  	s31 =	sadd.s32 s3, s19;
	v61 =	vld.idx.msk [tilespmem:v3+s9+$0x0], $0xffff  }
0x142: {  	s18 =	scvt.s32.f32 s31;
	v62 =	vld.idx.msk [tilespmem:v3+s10+$0x0], $0xffff  }
0x143: {  	v6 =	vnsel vm0, $0x0, v6;
	vm6 =	veq.s32 v0, $0x1;
	v63 =	vld.idx.msk [tilespmem:v3+s11+$0x0], $0xffff  }
0x144: {  	s17 =	sadd.s32 $0x1, s17;
	v6 =	vsel vm6, s18, v6;
	v3 =	vld.idx.msk [tilespmem:v3+s12+$0x0], $0xffff  }
0x145: {  	p1 =	sne.s32 s17, $0x96;
	v4 =	vsel vm1, v6, v4  }
.Ltmp4:
0x146: {  	v4 =	vsel vm2, v4, v61;
	(pc) =	sbr.rel @p1 .LBB2_4-.Ltmp4, $4  }
0x147: {  	v4 =	vsel vm3, v4, v62  }
0x148: {  	v4 =	vsel vm4, v4, v63  }
0x149: {  	v3 =	vsel vm5, v4, v3  }
0x14a: {  	[tilespmem:$0x2600] =	vst v3  }
0x14b: {  	s3 =	simm.s32 @!p0 $0x0;
	s4 =	simm.s32 @!p0 $0x2680  }
0x14c: {  	[hbm4b:s2+s3] =	stream.linear.scatter @!p0 [tilespmem:s4], [sflag:$0x4], $0x180, $0x38;
	[tilespmem:$0x2800] =	vst v63  }
0x14d: {  	s2 =	simm.s32 @!p0 $0x4  }
0x14e: {  	_ =	swait.ge @!p0 [sflag:s2], $0x180  }
0x14f: {  	[sflag:s2] =	ssyncset.done @!p0 $0x0  }
0x150: {  	[sflag:s2] =	ssyncadd.s32 @!p0 $0xFFFFFE80  }
.LBB2_10:
0x151: {  	_ =	sfence.sel $0x180000  }
0x152: {  	[bflag:$0x0] =	sbarrier.arrive $0xFFFF  }
0x153: {  	p0 =	sne.s32 s1, $0x0;
	_ =	strace $0x90000047  }
0x154: {  	s0 =	sadd.s32 @!p0 $0x100000, s0;
	[bflag:$0x2] =	sbarrier.arrive $0xFFFF  }
0x155: {  	[sflag:s0] =	ssyncadd.tile.s32 @!p0 $0x1;
	_ =	shalt  }
.Lfunc_end2:
_tile_overlayer_lowered:
.L_overlay_start_2:
0x156: {  	(tag) =	ssettag $0x2  }
0x157: {  	s0 =	rddreg [dreg:$0x0];
	s2 =	stileid.u32  }
0x158: {  	s1 =	rddreg [dreg:$0x1];
	p0 =	sne.s32 s2, $0x0  }
0x159: {  	s3 =	rddreg [dreg:$0x2];
	[bflag:$0x3] =	sbarrier.arrive $0xFFFF;
	s2 =	simm.s32 @!p0 $0x1C05  }
0x15a: {  	[timem:s3], [sflag:s2] =	dma.local @!p0 [hbm:s0], s1  }
0x15b: {  	s0 =	simm.s32 @!p0 $0x5  }
0x15c: {  	_ =	swait.ge @!p0 [sflag:s0], s1  }
0x15d: {  	s1 =	ssub.s32 @!p0 $0x0, s1;
	[sflag:s0] =	ssyncset.done @!p0 $0x0  }
0x15e: {  	[sflag:s0] =	ssyncadd.s32 @!p0 s1  }
0x15f: {  	[bflag:$0x3] =	sbarrier.arrive $0xFFFF  }
0x160: {  	_ =	shalt  }

</sc_bundles>
